<compile_context>
chip_gen: v7x
topology: tpu7x:2x2x1
jax: 0.10.2.dev20260603
libtpu: 0.0.44.dev20260713+nightly
codegen_flags: <defaults>
</compile_context>

<pallas_src>
import functools

import jax
import jax.numpy as jnp
from jax import lax
from jax.experimental import pallas as pl
from jax.experimental.pallas import tpu as pltpu
from jax.experimental.pallas import tpu_sc as plsc

_N = 1024 * 1024
_K = 734002
_ONE_BITS = 0x3F800000

_NBIN = 4096
_NB = 16 * _NBIN
_WLO = 0.6951
_SCALE = 400000.0
_INV = 1.0 / _SCALE

_NW = 32
_EPW = (8 * _N) // _NW
_CHUNK = 8192
_NCHUNK = _EPW // _CHUNK


def _sc_hist_body(adj_hbm, hist_hbm, buf_a, buf_b, hist_v, sem_a, sem_b):
    wid = lax.axis_index("s") * 2 + lax.axis_index("c")
    base = wid * _EPW

    def zero_body(i, _):
        hist_v[pl.ds(i * 16, 16)] = jnp.zeros((16,), jnp.int32)
        return 0

    lax.fori_loop(0, _NB // 16, zero_body, 0)

    bufs = (buf_a, buf_b)
    sems = (sem_a, sem_b)

    def copy_in(ci, slot):
        return pltpu.make_async_copy(
            adj_hbm.at[pl.ds(base + ci * _CHUNK, _CHUNK)], bufs[slot], sems[slot])

    copy_in(0, 0).start()
    copy_in(1, 1).start()

    ones = jnp.ones((16,), jnp.int32)
    lane_off = lax.iota(jnp.int32, 16) * _NBIN
    off = jnp.float32(1.0 - _WLO * _SCALE)

    def process(buf):
        def body(j, _):
            for k in range(4):
                v = buf[pl.ds(j * 64 + k * 16, 16)]
                t = v * _SCALE + off
                bi = t.astype(jnp.int32)
                bi = jnp.maximum(bi, 0)
                bi = jnp.minimum(bi, _NBIN - 1)
                plsc.addupdate_scatter(hist_v, [bi + lane_off], ones)
            return 0

        lax.fori_loop(0, _CHUNK // 64, body, 0)

    def outer(io, _):
        for slot in range(2):
            ci = io * 2 + slot
            copy_in(ci, slot).wait()
            process(bufs[slot])

            @pl.when(ci + 2 < _NCHUNK)
            def _():
                copy_in(ci + 2, slot).start()

        return 0

    lax.fori_loop(0, _NCHUNK // 2, outer, 0)
    pltpu.sync_copy(hist_v, hist_hbm.at[wid])


@functools.cache
def _get_sc_hist():
    @functools.partial(
        pl.kernel,
        mesh=plsc.VectorSubcoreMesh(core_axis_name="c", subcore_axis_name="s"),
        compiler_params=pltpu.CompilerParams(needs_layout_passes=False),
        out_type=jax.ShapeDtypeStruct((_NW, _NB), jnp.int32),
        scratch_types=[
            pltpu.VMEM((_CHUNK,), jnp.float32),
            pltpu.VMEM((_CHUNK,), jnp.float32),
            pltpu.VMEM((_NB,), jnp.int32),
            pltpu.SemaphoreType.DMA,
            pltpu.SemaphoreType.DMA,
        ],
    )
    def _sc_hist(adj_hbm, hist_hbm, buf_a, buf_b, hist_v, sem_a, sem_b):
        _sc_hist_body(adj_hbm, hist_hbm, buf_a, buf_b, hist_v, sem_a, sem_b)

    return _sc_hist


def _tc_gcn_kernel(adj_ref, x_ref, w1_ref, b1_ref, w2_ref, b2_ref, hist_ref,
                   out_ref):
    b = pl.program_id(0)

    hm = jnp.sum(hist_ref[0].astype(jnp.float32), axis=0)
    bin_idx = (lax.broadcasted_iota(jnp.int32, (32, 128), 0) * 128
               + lax.broadcasted_iota(jnp.int32, (32, 128), 1))

    def loc_body(_, carry):
        blo, bhi = carry
        bmid = (blo + bhi) // 2
        c = jnp.sum(jnp.where(bin_idx <= bmid, hm, 0.0))
        pred = c >= float(_K + 1)
        return jnp.where(pred, blo, bmid + 1), jnp.where(pred, bmid, bhi)

    j1, _ = lax.fori_loop(0, 12, loc_body, (jnp.int32(0), jnp.int32(_NBIN - 1)))

    valid = jnp.logical_and(j1 >= 2, j1 <= _NBIN - 3)
    lo_e = jnp.float32(_WLO) + (j1 - 2).astype(jnp.float32) * jnp.float32(_INV)
    hi_e = jnp.float32(_WLO) + (j1 + 1).astype(jnp.float32) * jnp.float32(_INV)
    lo_bits0 = lax.bitcast_convert_type(jnp.maximum(lo_e, 0.0), jnp.int32)
    hi_bits0 = lax.bitcast_convert_type(jnp.minimum(hi_e, 1.0), jnp.int32)
    lo_cand = jnp.where(valid, lo_bits0, jnp.int32(0))
    hi_cand = jnp.where(valid, hi_bits0, jnp.int32(_ONE_BITS))

    def count_le(t):
        return jnp.sum((adj_ref[0] <= t).astype(jnp.int32))

    c_lo = count_le(lax.bitcast_convert_type(lo_cand, jnp.float32))
    c_hi = count_le(lax.bitcast_convert_type(hi_cand, jnp.float32))
    good = jnp.logical_and(c_lo <= _K, c_hi >= _K + 1)
    lo_init = jnp.where(good, lo_cand, jnp.int32(0))
    hi_init = jnp.where(good, hi_cand, jnp.int32(_ONE_BITS))

    def cond_fn(carry):
        lo, hi = carry
        return lo < hi

    def body_fn(carry):
        lo, hi = carry
        mid = (lo + hi) // 2
        t = lax.bitcast_convert_type(mid, jnp.float32)
        pred = count_le(t) >= _K + 1
        return jnp.where(pred, lo, mid + 1), jnp.where(pred, mid, hi)

    lo, _ = lax.while_loop(cond_fn, body_fn, (lo_init, hi_init))
    a_k = lax.bitcast_convert_type(lo, jnp.float32)

    adj = adj_ref[0]
    c_le = jnp.sum((adj <= a_k).astype(jnp.int32))
    a_next = jnp.min(jnp.where(adj > a_k, adj, 2.0))
    a_k1 = jnp.where(c_le >= _K + 2, a_k, a_next)
    thresh = 0.5 * a_k + 0.5 * a_k1

    mask = (adj_ref[0] > thresh).astype(jnp.float32)
    h0 = jnp.dot(x_ref[0], w1_ref[...], preferred_element_type=jnp.float32)
    h0 = h0 + b1_ref[...]
    h1 = jnp.maximum(jnp.dot(mask, h0, preferred_element_type=jnp.float32), 0.0)
    h2 = jnp.dot(h1, w2_ref[...], preferred_element_type=jnp.float32)
    h2 = h2 + b2_ref[...]
    h2 = jnp.maximum(jnp.dot(mask, h2, preferred_element_type=jnp.float32), 0.0)
    out_ref[pl.ds(b, 1), :] = jnp.mean(h2, axis=0, keepdims=True)


def _tc_gcn(x, adj, W1, b1, W2, b2, hist4):
    bsz = adj.shape[0]
    return pl.pallas_call(
        _tc_gcn_kernel,
        grid=(bsz,),
        in_specs=[
            pl.BlockSpec((1, 1024, 1024), lambda b: (b, 0, 0)),
            pl.BlockSpec((1, 1024, 128), lambda b: (b, 0, 0)),
            pl.BlockSpec((128, 128), lambda b: (0, 0)),
            pl.BlockSpec((1, 128), lambda b: (0, 0)),
            pl.BlockSpec((128, 128), lambda b: (0, 0)),
            pl.BlockSpec((1, 128), lambda b: (0, 0)),
            pl.BlockSpec((1, 64, 32, 128), lambda b: (b, 0, 0, 0)),
        ],
        out_specs=pl.BlockSpec((bsz, 128), lambda b: (0, 0)),
        out_shape=jax.ShapeDtypeStruct((bsz, 128), jnp.float32),
    )(adj, x, W1, b1.reshape(1, 128), W2, b2.reshape(1, 128), hist4)


@jax.jit
def kernel(x, adj, W1, b1, W2, b2):
    bsz = adj.shape[0]
    adj_flat = adj.reshape(bsz * 1024 * 1024)
    hist = _get_sc_hist()(adj_flat)
    hist4 = hist.reshape(bsz, 64, 32, 128)
    return _tc_gcn(x, adj, W1, b1, W2, b2, hist4)

# --- scband reference (transcript-rebuilt; emitter-appended) ---
"""Pipeline reference for scband-gcn-3152505995970 (READ-ONLY COPY).

The authoritative reference and input builder live on the scoring server;
editing this copy changes nothing except your own understanding.
"""

import jax, jax.numpy as jnp
import numpy as np


def setup_inputs(seed: int = 0) -> dict:
    key = jax.random.key(seed)
    ks = jax.random.split(key, 6)
    x = jax.random.normal(ks[0], (8, 1024, 128), dtype=jnp.float32)
    adj = jax.random.uniform(ks[1], (8, 1024, 1024), dtype=jnp.float32)
    W1 = jax.random.normal(ks[2], (128, 128), dtype=jnp.float32) * 0.05
    b1 = jnp.zeros((128,), dtype=jnp.float32)
    W2 = jax.random.normal(ks[3], (128, 128), dtype=jnp.float32) * 0.05
    b2 = jnp.zeros((128,), dtype=jnp.float32)
    return {"x": x, "adj": adj, "W1": W1, "b1": b1, "W2": W2, "b2": b2}


def reference(x, adj, W1, b1, W2, b2):
    # GCN with per-sample top-30% thresholded adjacency (sparsity = 30).
    # The torch module builds a block-diagonal sparse CSR adjacency with value 1.0
    # at positions where adj > per-sample 70th percentile; block-diag spmm over
    # flattened (b n) is mathematically identical to a batched masked matmul.
    sparsity = 30
    b = adj.shape[0]
    thresh = jnp.quantile(adj.reshape(b, -1), 1.0 - sparsity / 100.0, axis=1)
    mask = (adj > thresh[:, None, None]).astype(jnp.float32)
    # conv1: GCNConv(x, A) = A @ (x W) + b, then relu (dropout is identity in eval)
    h = x @ W1 + b1
    h = jnp.einsum('bij,bjc->bic', mask, h)
    h = jax.nn.relu(h)
    # conv2
    h2 = h @ W2 + b2
    h2 = jnp.einsum('bij,bjc->bic', mask, h2)
    h2 = jax.nn.relu(h2)
    # mean over nodes
    return jnp.mean(h2, axis=1)

if __name__ == "__main__":
    import jax
    _d = setup_inputs()
    print(jax.jit(kernel)(*tuple(_d.values())))

</pallas_src>

<mosaic_0001>
#map = affine_map<(d0, d1) -> (0)>
#map1 = affine_map<(d0, d1) -> (0, 0)>
module attributes {stable_mosaic.version = 14 : i64} {
  func.func @_sc_hist(%arg0: i32, %arg1: i32, %arg2: memref<8388608xf32, #tpu.memory_space<hbm>>, %arg3: memref<32x65536xi32, #tpu.memory_space<hbm>>, %arg4: memref<8192xf32, #tpu.memory_space<vmem>>, %arg5: memref<8192xf32, #tpu.memory_space<vmem>>, %arg6: memref<65536xi32, #tpu.memory_space<vmem>>, %arg7: memref<!tpu.dma_semaphore, #tpu.memory_space<semaphore_mem>>, %arg8: memref<!tpu.dma_semaphore, #tpu.memory_space<semaphore_mem>>) attributes {dimension_semantics = [#tpu.dimension_semantics<core_parallel>, #tpu.dimension_semantics<subcore_parallel>], iteration_bounds = array<i64: 2, 16>, scalar_prefetch = 0 : i64, scratch_operands = 5 : i64, tpu.core_type = #tpu.core_type<sc_vector_subcore>, window_params = [{transform_indices = #map}, {transform_indices = #map1}]} {
    %mul3A = arith.constant 2 : i32
    %mul3A_0 = arith.muli %arg1, %mul3A : i32
    %add3A = arith.addi %mul3A_0, %arg0 : i32
    %mul3A_1 = arith.constant 262144 : i32
    %mul3A_2 = arith.muli %add3A, %mul3A_1 : i32
    %scan3A = arith.constant 0 : i32
    %scan3A_3 = arith.constant 0 : i32
    %scan3A_4 = arith.constant 4096 : i32
    %scan3A_5 = arith.addi %scan3A_3, %scan3A_4 : i32
    %scan3A_6 = arith.constant 1 : i32
    %scan3A_7 = scf.for %scan3A_28 = %scan3A_3 to %scan3A_5 step %scan3A_6 iter_args(%scan3A_29 = %scan3A) -> (i32)  : i32 {
      %broadcast_in_dim3A_30 = arith.constant 0 : i32
      %broadcast_in_dim3A_31 = vector.broadcast %broadcast_in_dim3A_30 : i32 to vector<16xi32>
      %mul3A_32 = arith.constant 16 : i32
      %mul3A_33 = arith.muli %scan3A_28, %mul3A_32 : i32
      %swap3A = arith.index_cast %mul3A_33 : i32 to index
      %swap3A_34 = tpu.vector_load %arg6[%swap3A] {strides = array<i32>} : memref<65536xi32, #tpu.memory_space<vmem>>, vector<16xi32>,
      tpu.vector_store %arg6[%swap3A], %broadcast_in_dim3A_31 {strides = array<i32>} : memref<65536xi32, #tpu.memory_space<vmem>>, vector<16xi32>,
      %scan3A_35 = arith.constant 0 : i32
      scf.yield %scan3A_35 : i32
    }
    %scan3A_8 = arith.constant 4096 : i32
    %add3A_9 = arith.constant 0 : i32
    %add3A_10 = arith.addi %mul3A_2, %add3A_9 : i32
    %dma_start3A = tpu.memref_slice %arg2[%add3A_10] : memref<8388608xf32, #tpu.memory_space<hbm>> -> memref<8192xf32, #tpu.memory_space<hbm>>
    %dma_start3A_11 = tpu.memref_slice %arg2[%add3A_10] : memref<8388608xf32, #tpu.memory_space<hbm>> -> memref<8192xf32, #tpu.memory_space<hbm>>
    tpu.enqueue_dma source(%dma_start3A_11 : memref<8192xf32, #tpu.memory_space<hbm>>) target(%arg4 : memref<8192xf32, #tpu.memory_space<vmem>>) target_semaphore(%arg7 : memref<!tpu.dma_semaphore, #tpu.memory_space<semaphore_mem>>)
    %add3A_12 = arith.constant 8192 : i32
    %add3A_13 = arith.addi %mul3A_2, %add3A_12 : i32
    %dma_start3A_14 = tpu.memref_slice %arg2[%add3A_13] : memref<8388608xf32, #tpu.memory_space<hbm>> -> memref<8192xf32, #tpu.memory_space<hbm>>
    %dma_start3A_15 = tpu.memref_slice %arg2[%add3A_13] : memref<8388608xf32, #tpu.memory_space<hbm>> -> memref<8192xf32, #tpu.memory_space<hbm>>
    tpu.enqueue_dma source(%dma_start3A_15 : memref<8192xf32, #tpu.memory_space<hbm>>) target(%arg5 : memref<8192xf32, #tpu.memory_space<vmem>>) target_semaphore(%arg8 : memref<!tpu.dma_semaphore, #tpu.memory_space<semaphore_mem>>)
    %broadcast_in_dim3A = arith.constant 1 : i32
    %broadcast_in_dim3A_16 = vector.broadcast %broadcast_in_dim3A : i32 to vector<16xi32>
    %iota3A = tpu.iota {dimensions = array<i32: 0>} : vector<16xi32>
    %mul3A_17 = arith.constant 4096 : i32
    %mul3A_18 = vector.broadcast %mul3A_17 : i32 to vector<16xi32>
    %mul3A_19 = arith.muli %iota3A, %mul3A_18 : vector<16xi32>
    %scan3A_20 = arith.constant -2.780390e+05 : f32
    %scan3A_21 = arith.constant 0 : i32
    %scan3A_22 = arith.constant 0 : i32
    %scan3A_23 = arith.constant 16 : i32
    %scan3A_24 = arith.addi %scan3A_22, %scan3A_23 : i32
    %scan3A_25 = arith.constant 1 : i32
    %scan3A_26 = scf.for %scan3A_28 = %scan3A_22 to %scan3A_24 step %scan3A_25 iter_args(%scan3A_29 = %scan3A_21) -> (i32)  : i32 {
      %mul3A_30 = arith.constant 2 : i32
      %mul3A_31 = arith.muli %scan3A_28, %mul3A_30 : i32
      %add3A_32 = arith.constant 0 : i32
      %add3A_33 = arith.addi %mul3A_31, %add3A_32 : i32
      %mul3A_34 = arith.constant 8192 : i32
      %mul3A_35 = arith.muli %add3A_33, %mul3A_34 : i32
      %add3A_36 = arith.addi %mul3A_2, %mul3A_35 : i32
      %dma_wait3A = tpu.memref_slice %arg2[%add3A_36] : memref<8388608xf32, #tpu.memory_space<hbm>> -> memref<8192xf32, #tpu.memory_space<hbm>>
      %dma_wait3A_37 = tpu.memref_slice %arg2[%add3A_36] : memref<8388608xf32, #tpu.memory_space<hbm>> -> memref<8192xf32, #tpu.memory_space<hbm>>
      tpu.wait_dma2 semaphore(%arg7 : memref<!tpu.dma_semaphore, #tpu.memory_space<semaphore_mem>>) src(%dma_wait3A_37 : memref<8192xf32, #tpu.memory_space<hbm>>) dst(%arg4 : memref<8192xf32, #tpu.memory_space<vmem>>)
      %scan3A_38 = arith.constant 0 : i32
      %scan3A_39 = arith.constant 0 : i32
      %scan3A_40 = arith.constant 128 : i32
      %scan3A_41 = arith.addi %scan3A_39, %scan3A_40 : i32
      %scan3A_42 = arith.constant 1 : i32
      %scan3A_43 = scf.for %scan3A_73 = %scan3A_39 to %scan3A_41 step %scan3A_42 iter_args(%scan3A_74 = %scan3A_38) -> (i32)  : i32 {
        %mul3A_75 = arith.constant 64 : i32
        %mul3A_76 = arith.muli %scan3A_73, %mul3A_75 : i32
        %add3A_77 = arith.constant 0 : i32
        %add3A_78 = arith.addi %mul3A_76, %add3A_77 : i32
        %get3A = arith.index_cast %add3A_78 : i32 to index
        %get3A_79 = tpu.vector_load %arg4[%get3A] {strides = array<i32>} : memref<8192xf32, #tpu.memory_space<vmem>>, vector<16xf32>,
        %mul3A_80 = arith.constant 4.000000e+05 : f32
        %mul3A_81 = vector.broadcast %mul3A_80 : f32 to vector<16xf32>
        %mul3A_82 = arith.mulf %get3A_79, %mul3A_81 : vector<16xf32>
        %add3A_83 = vector.broadcast %scan3A_20 : f32 to vector<16xf32>
        %add3A_84 = arith.addf %mul3A_82, %add3A_83 : vector<16xf32>
        %convert_element_type3A_85 = arith.fptosi %add3A_84 : vector<16xf32> to vector<16xi32>
        %max3A = arith.constant 0 : i32
        %max3A_86 = vector.broadcast %max3A : i32 to vector<16xi32>
        %max3A_87 = arith.maxsi %convert_element_type3A_85, %max3A_86 : vector<16xi32>
        %min3A = arith.constant 4095 : i32
        %min3A_88 = vector.broadcast %min3A : i32 to vector<16xi32>
        %min3A_89 = arith.minsi %max3A_87, %min3A_88 : vector<16xi32>
        %add3A_90 = arith.addi %min3A_89, %mul3A_19 : vector<16xi32>
        tpu.vector_store_idx %arg6[%add3A_90], %broadcast_in_dim3A_16 {add = true} : memref<65536xi32, #tpu.memory_space<vmem>>[vector<16xi32>], vector<16xi32>,
        %mul3A_91 = arith.constant 64 : i32
        %mul3A_92 = arith.muli %scan3A_73, %mul3A_91 : i32
        %add3A_93 = arith.constant 16 : i32
        %add3A_94 = arith.addi %mul3A_92, %add3A_93 : i32
        %get3A_95 = arith.index_cast %add3A_94 : i32 to index
        %get3A_96 = tpu.vector_load %arg4[%get3A_95] {strides = array<i32>} : memref<8192xf32, #tpu.memory_space<vmem>>, vector<16xf32>,
        %mul3A_97 = arith.constant 4.000000e+05 : f32
        %mul3A_98 = vector.broadcast %mul3A_97 : f32 to vector<16xf32>
        %mul3A_99 = arith.mulf %get3A_96, %mul3A_98 : vector<16xf32>
        %add3A_100 = vector.broadcast %scan3A_20 : f32 to vector<16xf32>
        %add3A_101 = arith.addf %mul3A_99, %add3A_100 : vector<16xf32>
        %convert_element_type3A_102 = arith.fptosi %add3A_101 : vector<16xf32> to vector<16xi32>
        %max3A_103 = arith.constant 0 : i32
        %max3A_104 = vector.broadcast %max3A_103 : i32 to vector<16xi32>
        %max3A_105 = arith.maxsi %convert_element_type3A_102, %max3A_104 : vector<16xi32>
        %min3A_106 = arith.constant 4095 : i32
        %min3A_107 = vector.broadcast %min3A_106 : i32 to vector<16xi32>
        %min3A_108 = arith.minsi %max3A_105, %min3A_107 : vector<16xi32>
        %add3A_109 = arith.addi %min3A_108, %mul3A_19 : vector<16xi32>
        tpu.vector_store_idx %arg6[%add3A_109], %broadcast_in_dim3A_16 {add = true} : memref<65536xi32, #tpu.memory_space<vmem>>[vector<16xi32>], vector<16xi32>,
        %mul3A_110 = arith.constant 64 : i32
        %mul3A_111 = arith.muli %scan3A_73, %mul3A_110 : i32
        %add3A_112 = arith.constant 32 : i32
        %add3A_113 = arith.addi %mul3A_111, %add3A_112 : i32
        %get3A_114 = arith.index_cast %add3A_113 : i32 to index
        %get3A_115 = tpu.vector_load %arg4[%get3A_114] {strides = array<i32>} : memref<8192xf32, #tpu.memory_space<vmem>>, vector<16xf32>,
        %mul3A_116 = arith.constant 4.000000e+05 : f32
        %mul3A_117 = vector.broadcast %mul3A_116 : f32 to vector<16xf32>
        %mul3A_118 = arith.mulf %get3A_115, %mul3A_117 : vector<16xf32>
        %add3A_119 = vector.broadcast %scan3A_20 : f32 to vector<16xf32>
        %add3A_120 = arith.addf %mul3A_118, %add3A_119 : vector<16xf32>
        %convert_element_type3A_121 = arith.fptosi %add3A_120 : vector<16xf32> to vector<16xi32>
        %max3A_122 = arith.constant 0 : i32
        %max3A_123 = vector.broadcast %max3A_122 : i32 to vector<16xi32>
        %max3A_124 = arith.maxsi %convert_element_type3A_121, %max3A_123 : vector<16xi32>
        %min3A_125 = arith.constant 4095 : i32
        %min3A_126 = vector.broadcast %min3A_125 : i32 to vector<16xi32>
        %min3A_127 = arith.minsi %max3A_124, %min3A_126 : vector<16xi32>
        %add3A_128 = arith.addi %min3A_127, %mul3A_19 : vector<16xi32>
        tpu.vector_store_idx %arg6[%add3A_128], %broadcast_in_dim3A_16 {add = true} : memref<65536xi32, #tpu.memory_space<vmem>>[vector<16xi32>], vector<16xi32>,
        %mul3A_129 = arith.constant 64 : i32
        %mul3A_130 = arith.muli %scan3A_73, %mul3A_129 : i32
        %add3A_131 = arith.constant 48 : i32
        %add3A_132 = arith.addi %mul3A_130, %add3A_131 : i32
        %get3A_133 = arith.index_cast %add3A_132 : i32 to index
        %get3A_134 = tpu.vector_load %arg4[%get3A_133] {strides = array<i32>} : memref<8192xf32, #tpu.memory_space<vmem>>, vector<16xf32>,
        %mul3A_135 = arith.constant 4.000000e+05 : f32
        %mul3A_136 = vector.broadcast %mul3A_135 : f32 to vector<16xf32>
        %mul3A_137 = arith.mulf %get3A_134, %mul3A_136 : vector<16xf32>
        %add3A_138 = vector.broadcast %scan3A_20 : f32 to vector<16xf32>
        %add3A_139 = arith.addf %mul3A_137, %add3A_138 : vector<16xf32>
        %convert_element_type3A_140 = arith.fptosi %add3A_139 : vector<16xf32> to vector<16xi32>
        %max3A_141 = arith.constant 0 : i32
        %max3A_142 = vector.broadcast %max3A_141 : i32 to vector<16xi32>
        %max3A_143 = arith.maxsi %convert_element_type3A_140, %max3A_142 : vector<16xi32>
        %min3A_144 = arith.constant 4095 : i32
        %min3A_145 = vector.broadcast %min3A_144 : i32 to vector<16xi32>
        %min3A_146 = arith.minsi %max3A_143, %min3A_145 : vector<16xi32>
        %add3A_147 = arith.addi %min3A_146, %mul3A_19 : vector<16xi32>
        tpu.vector_store_idx %arg6[%add3A_147], %broadcast_in_dim3A_16 {add = true} : memref<65536xi32, #tpu.memory_space<vmem>>[vector<16xi32>], vector<16xi32>,
        %scan3A_148 = arith.constant 0 : i32
        scf.yield %scan3A_148 : i32
      }
      %scan3A_44 = arith.constant 128 : i32
      %add3A_45 = arith.constant 2 : i32
      %add3A_46 = arith.addi %add3A_33, %add3A_45 : i32
      %lt3A = arith.constant 32 : i32
      %lt3A_47 = arith.cmpi slt, %add3A_46, %lt3A : i32
      %convert_element_type3A = arith.extui %lt3A_47 : i1 to i32
      %cond3A = arith.constant 0 : i32
      %cond3A_48 = arith.cmpi ne, %convert_element_type3A, %cond3A : i32
      scf.if %cond3A_48 {
        %add3A_73 = arith.constant 2 : i32
        %add3A_74 = arith.addi %add3A_33, %add3A_73 : i32
        %mul3A_75 = arith.constant 8192 : i32
        %mul3A_76 = arith.muli %add3A_74, %mul3A_75 : i32
        %add3A_77 = arith.addi %mul3A_2, %mul3A_76 : i32
        %dma_start3A_78 = tpu.memref_slice %arg2[%add3A_77] : memref<8388608xf32, #tpu.memory_space<hbm>> -> memref<8192xf32, #tpu.memory_space<hbm>>
        %dma_start3A_79 = tpu.memref_slice %arg2[%add3A_77] : memref<8388608xf32, #tpu.memory_space<hbm>> -> memref<8192xf32, #tpu.memory_space<hbm>>
        tpu.enqueue_dma source(%dma_start3A_79 : memref<8192xf32, #tpu.memory_space<hbm>>) target(%arg4 : memref<8192xf32, #tpu.memory_space<vmem>>) target_semaphore(%arg7 : memref<!tpu.dma_semaphore, #tpu.memory_space<semaphore_mem>>)
      } else {
      }
      %mul3A_49 = arith.constant 2 : i32
      %mul3A_50 = arith.muli %scan3A_28, %mul3A_49 : i32
      %add3A_51 = arith.constant 1 : i32
      %add3A_52 = arith.addi %mul3A_50, %add3A_51 : i32
      %mul3A_53 = arith.constant 8192 : i32
      %mul3A_54 = arith.muli %add3A_52, %mul3A_53 : i32
      %add3A_55 = arith.addi %mul3A_2, %mul3A_54 : i32
      %dma_wait3A_56 = tpu.memref_slice %arg2[%add3A_55] : memref<8388608xf32, #tpu.memory_space<hbm>> -> memref<8192xf32, #tpu.memory_space<hbm>>
      %dma_wait3A_57 = tpu.memref_slice %arg2[%add3A_55] : memref<8388608xf32, #tpu.memory_space<hbm>> -> memref<8192xf32, #tpu.memory_space<hbm>>
      tpu.wait_dma2 semaphore(%arg8 : memref<!tpu.dma_semaphore, #tpu.memory_space<semaphore_mem>>) src(%dma_wait3A_57 : memref<8192xf32, #tpu.memory_space<hbm>>) dst(%arg5 : memref<8192xf32, #tpu.memory_space<vmem>>)
      %scan3A_58 = arith.constant 0 : i32
      %scan3A_59 = arith.constant 0 : i32
      %scan3A_60 = arith.constant 128 : i32
      %scan3A_61 = arith.addi %scan3A_59, %scan3A_60 : i32
      %scan3A_62 = arith.constant 1 : i32
      %scan3A_63 = scf.for %scan3A_73 = %scan3A_59 to %scan3A_61 step %scan3A_62 iter_args(%scan3A_74 = %scan3A_58) -> (i32)  : i32 {
        %mul3A_75 = arith.constant 64 : i32
        %mul3A_76 = arith.muli %scan3A_73, %mul3A_75 : i32
        %add3A_77 = arith.constant 0 : i32
        %add3A_78 = arith.addi %mul3A_76, %add3A_77 : i32
        %get3A = arith.index_cast %add3A_78 : i32 to index
        %get3A_79 = tpu.vector_load %arg5[%get3A] {strides = array<i32>} : memref<8192xf32, #tpu.memory_space<vmem>>, vector<16xf32>,
        %mul3A_80 = arith.constant 4.000000e+05 : f32
        %mul3A_81 = vector.broadcast %mul3A_80 : f32 to vector<16xf32>
        %mul3A_82 = arith.mulf %get3A_79, %mul3A_81 : vector<16xf32>
        %add3A_83 = vector.broadcast %scan3A_20 : f32 to vector<16xf32>
        %add3A_84 = arith.addf %mul3A_82, %add3A_83 : vector<16xf32>
        %convert_element_type3A_85 = arith.fptosi %add3A_84 : vector<16xf32> to vector<16xi32>
        %max3A = arith.constant 0 : i32
        %max3A_86 = vector.broadcast %max3A : i32 to vector<16xi32>
        %max3A_87 = arith.maxsi %convert_element_type3A_85, %max3A_86 : vector<16xi32>
        %min3A = arith.constant 4095 : i32
        %min3A_88 = vector.broadcast %min3A : i32 to vector<16xi32>
        %min3A_89 = arith.minsi %max3A_87, %min3A_88 : vector<16xi32>
        %add3A_90 = arith.addi %min3A_89, %mul3A_19 : vector<16xi32>
        tpu.vector_store_idx %arg6[%add3A_90], %broadcast_in_dim3A_16 {add = true} : memref<65536xi32, #tpu.memory_space<vmem>>[vector<16xi32>], vector<16xi32>,
        %mul3A_91 = arith.constant 64 : i32
        %mul3A_92 = arith.muli %scan3A_73, %mul3A_91 : i32
        %add3A_93 = arith.constant 16 : i32
        %add3A_94 = arith.addi %mul3A_92, %add3A_93 : i32
        %get3A_95 = arith.index_cast %add3A_94 : i32 to index
        %get3A_96 = tpu.vector_load %arg5[%get3A_95] {strides = array<i32>} : memref<8192xf32, #tpu.memory_space<vmem>>, vector<16xf32>,
        %mul3A_97 = arith.constant 4.000000e+05 : f32
        %mul3A_98 = vector.broadcast %mul3A_97 : f32 to vector<16xf32>
        %mul3A_99 = arith.mulf %get3A_96, %mul3A_98 : vector<16xf32>
        %add3A_100 = vector.broadcast %scan3A_20 : f32 to vector<16xf32>
        %add3A_101 = arith.addf %mul3A_99, %add3A_100 : vector<16xf32>
        %convert_element_type3A_102 = arith.fptosi %add3A_101 : vector<16xf32> to vector<16xi32>
        %max3A_103 = arith.constant 0 : i32
        %max3A_104 = vector.broadcast %max3A_103 : i32 to vector<16xi32>
        %max3A_105 = arith.maxsi %convert_element_type3A_102, %max3A_104 : vector<16xi32>
        %min3A_106 = arith.constant 4095 : i32
        %min3A_107 = vector.broadcast %min3A_106 : i32 to vector<16xi32>
        %min3A_108 = arith.minsi %max3A_105, %min3A_107 : vector<16xi32>
        %add3A_109 = arith.addi %min3A_108, %mul3A_19 : vector<16xi32>
        tpu.vector_store_idx %arg6[%add3A_109], %broadcast_in_dim3A_16 {add = true} : memref<65536xi32, #tpu.memory_space<vmem>>[vector<16xi32>], vector<16xi32>,
        %mul3A_110 = arith.constant 64 : i32
        %mul3A_111 = arith.muli %scan3A_73, %mul3A_110 : i32
        %add3A_112 = arith.constant 32 : i32
        %add3A_113 = arith.addi %mul3A_111, %add3A_112 : i32
        %get3A_114 = arith.index_cast %add3A_113 : i32 to index
        %get3A_115 = tpu.vector_load %arg5[%get3A_114] {strides = array<i32>} : memref<8192xf32, #tpu.memory_space<vmem>>, vector<16xf32>,
        %mul3A_116 = arith.constant 4.000000e+05 : f32
        %mul3A_117 = vector.broadcast %mul3A_116 : f32 to vector<16xf32>
        %mul3A_118 = arith.mulf %get3A_115, %mul3A_117 : vector<16xf32>
        %add3A_119 = vector.broadcast %scan3A_20 : f32 to vector<16xf32>
        %add3A_120 = arith.addf %mul3A_118, %add3A_119 : vector<16xf32>
        %convert_element_type3A_121 = arith.fptosi %add3A_120 : vector<16xf32> to vector<16xi32>
        %max3A_122 = arith.constant 0 : i32
        %max3A_123 = vector.broadcast %max3A_122 : i32 to vector<16xi32>
        %max3A_124 = arith.maxsi %convert_element_type3A_121, %max3A_123 : vector<16xi32>
        %min3A_125 = arith.constant 4095 : i32
        %min3A_126 = vector.broadcast %min3A_125 : i32 to vector<16xi32>
        %min3A_127 = arith.minsi %max3A_124, %min3A_126 : vector<16xi32>
        %add3A_128 = arith.addi %min3A_127, %mul3A_19 : vector<16xi32>
        tpu.vector_store_idx %arg6[%add3A_128], %broadcast_in_dim3A_16 {add = true} : memref<65536xi32, #tpu.memory_space<vmem>>[vector<16xi32>], vector<16xi32>,
        %mul3A_129 = arith.constant 64 : i32
        %mul3A_130 = arith.muli %scan3A_73, %mul3A_129 : i32
        %add3A_131 = arith.constant 48 : i32
        %add3A_132 = arith.addi %mul3A_130, %add3A_131 : i32
        %get3A_133 = arith.index_cast %add3A_132 : i32 to index
        %get3A_134 = tpu.vector_load %arg5[%get3A_133] {strides = array<i32>} : memref<8192xf32, #tpu.memory_space<vmem>>, vector<16xf32>,
        %mul3A_135 = arith.constant 4.000000e+05 : f32
        %mul3A_136 = vector.broadcast %mul3A_135 : f32 to vector<16xf32>
        %mul3A_137 = arith.mulf %get3A_134, %mul3A_136 : vector<16xf32>
        %add3A_138 = vector.broadcast %scan3A_20 : f32 to vector<16xf32>
        %add3A_139 = arith.addf %mul3A_137, %add3A_138 : vector<16xf32>
        %convert_element_type3A_140 = arith.fptosi %add3A_139 : vector<16xf32> to vector<16xi32>
        %max3A_141 = arith.constant 0 : i32
        %max3A_142 = vector.broadcast %max3A_141 : i32 to vector<16xi32>
        %max3A_143 = arith.maxsi %convert_element_type3A_140, %max3A_142 : vector<16xi32>
        %min3A_144 = arith.constant 4095 : i32
        %min3A_145 = vector.broadcast %min3A_144 : i32 to vector<16xi32>
        %min3A_146 = arith.minsi %max3A_143, %min3A_145 : vector<16xi32>
        %add3A_147 = arith.addi %min3A_146, %mul3A_19 : vector<16xi32>
        tpu.vector_store_idx %arg6[%add3A_147], %broadcast_in_dim3A_16 {add = true} : memref<65536xi32, #tpu.memory_space<vmem>>[vector<16xi32>], vector<16xi32>,
        %scan3A_148 = arith.constant 0 : i32
        scf.yield %scan3A_148 : i32
      }
      %scan3A_64 = arith.constant 128 : i32
      %add3A_65 = arith.constant 2 : i32
      %add3A_66 = arith.addi %add3A_52, %add3A_65 : i32
      %lt3A_67 = arith.constant 32 : i32
      %lt3A_68 = arith.cmpi slt, %add3A_66, %lt3A_67 : i32
      %convert_element_type3A_69 = arith.extui %lt3A_68 : i1 to i32
      %cond3A_70 = arith.constant 0 : i32
      %cond3A_71 = arith.cmpi ne, %convert_element_type3A_69, %cond3A_70 : i32
      scf.if %cond3A_71 {
        %add3A_73 = arith.constant 2 : i32
        %add3A_74 = arith.addi %add3A_52, %add3A_73 : i32
        %mul3A_75 = arith.constant 8192 : i32
        %mul3A_76 = arith.muli %add3A_74, %mul3A_75 : i32
        %add3A_77 = arith.addi %mul3A_2, %mul3A_76 : i32
        %dma_start3A_78 = tpu.memref_slice %arg2[%add3A_77] : memref<8388608xf32, #tpu.memory_space<hbm>> -> memref<8192xf32, #tpu.memory_space<hbm>>
        %dma_start3A_79 = tpu.memref_slice %arg2[%add3A_77] : memref<8388608xf32, #tpu.memory_space<hbm>> -> memref<8192xf32, #tpu.memory_space<hbm>>
        tpu.enqueue_dma source(%dma_start3A_79 : memref<8192xf32, #tpu.memory_space<hbm>>) target(%arg5 : memref<8192xf32, #tpu.memory_space<vmem>>) target_semaphore(%arg8 : memref<!tpu.dma_semaphore, #tpu.memory_space<semaphore_mem>>)
      } else {
      }
      %scan3A_72 = arith.constant 0 : i32
      scf.yield %scan3A_72 : i32
    }
    %scan3A_27 = arith.constant 16 : i32
    "tpu.region"() ({
      %run_scoped3A = tpu.sem_alloc : memref<!tpu.dma_semaphore, #tpu.memory_space<semaphore_mem>>
      %dma_start3A_28 = arith.constant 0 : i32
      %dma_start3A_29 = tpu.memref_slice %arg3[%add3A, %dma_start3A_28] : memref<32x65536xi32, #tpu.memory_space<hbm>> -> memref<1x65536xi32, #tpu.memory_space<hbm>>
      %dma_start3A_30 = tpu.memref_squeeze %dma_start3A_29 : memref<1x65536xi32, #tpu.memory_space<hbm>> -> memref<65536xi32, #tpu.memory_space<hbm>>
      %dma_start3A_31 = arith.constant 0 : i32
      %dma_start3A_32 = tpu.memref_slice %arg3[%add3A, %dma_start3A_31] : memref<32x65536xi32, #tpu.memory_space<hbm>> -> memref<1x65536xi32, #tpu.memory_space<hbm>>
      %dma_start3A_33 = tpu.memref_squeeze %dma_start3A_32 : memref<1x65536xi32, #tpu.memory_space<hbm>> -> memref<65536xi32, #tpu.memory_space<hbm>>
      tpu.enqueue_dma source(%arg6 : memref<65536xi32, #tpu.memory_space<vmem>>) target(%dma_start3A_33 : memref<65536xi32, #tpu.memory_space<hbm>>) target_semaphore(%run_scoped3A : memref<!tpu.dma_semaphore, #tpu.memory_space<semaphore_mem>>)
      %dma_wait3A = arith.constant 0 : i32
      %dma_wait3A_34 = tpu.memref_slice %arg3[%add3A, %dma_wait3A] : memref<32x65536xi32, #tpu.memory_space<hbm>> -> memref<1x65536xi32, #tpu.memory_space<hbm>>
      %dma_wait3A_35 = tpu.memref_squeeze %dma_wait3A_34 : memref<1x65536xi32, #tpu.memory_space<hbm>> -> memref<65536xi32, #tpu.memory_space<hbm>>
      %dma_wait3A_36 = arith.constant 0 : i32
      %dma_wait3A_37 = tpu.memref_slice %arg3[%add3A, %dma_wait3A_36] : memref<32x65536xi32, #tpu.memory_space<hbm>> -> memref<1x65536xi32, #tpu.memory_space<hbm>>
      %dma_wait3A_38 = tpu.memref_squeeze %dma_wait3A_37 : memref<1x65536xi32, #tpu.memory_space<hbm>> -> memref<65536xi32, #tpu.memory_space<hbm>>
      tpu.wait_dma2 semaphore(%run_scoped3A : memref<!tpu.dma_semaphore, #tpu.memory_space<semaphore_mem>>) src(%arg6 : memref<65536xi32, #tpu.memory_space<vmem>>) dst(%dma_wait3A_38 : memref<65536xi32, #tpu.memory_space<hbm>>)
      tpu.yield
    }) : () -> ()
    return
  }
}

module attributes {stable_mosaic.version = 14 : i64} {
  func.func @_tc_gcn_kernel(%arg0: i32, %arg1: memref<1x1024x1024xf32, #tpu.memory_space<vmem>>, %arg2: memref<1x1024x128xf32, #tpu.memory_space<vmem>>, %arg3: memref<128x128xf32, #tpu.memory_space<vmem>>, %arg4: memref<1x128xf32, #tpu.memory_space<vmem>>, %arg5: memref<128x128xf32, #tpu.memory_space<vmem>>, %arg6: memref<1x128xf32, #tpu.memory_space<vmem>>, %arg7: memref<1x64x32x128xi32, #tpu.memory_space<vmem>>, %arg8: memref<8x128xf32, #tpu.memory_space<vmem>>) attributes {dimension_semantics = [#tpu.dimension_semantics<arbitrary>], iteration_bounds = array<i64: 8>, scalar_prefetch = 0 : i64, scratch_operands = 0 : i64, tpu.core_type = #tpu.core_type<tc>, window_params = [{transform_indices = @transform_0, window_bounds = array<i64: 1, 1024, 1024>}, {transform_indices = @transform_1, window_bounds = array<i64: 1, 1024, 128>}, {pipeline_mode = #tpu.pipeline_mode<synchronous>, transform_indices = @transform_2, window_bounds = array<i64: 128, 128>}, {pipeline_mode = #tpu.pipeline_mode<synchronous>, transform_indices = @transform_3, window_bounds = array<i64: 1, 128>}, {pipeline_mode = #tpu.pipeline_mode<synchronous>, transform_indices = @transform_4, window_bounds = array<i64: 128, 128>}, {pipeline_mode = #tpu.pipeline_mode<synchronous>, transform_indices = @transform_5, window_bounds = array<i64: 1, 128>}, {transform_indices = @transform_6, window_bounds = array<i64: 1, 64, 32, 128>}, {pipeline_mode = #tpu.pipeline_mode<synchronous>, transform_indices = @transform_7, window_bounds = array<i64: 8, 128>}]} {
    %get3A = arith.constant 0 : index
    %get3A_0 = arith.constant 0 : index
    %get3A_1 = arith.constant 0 : index
    %get3A_2 = arith.constant 0 : index
    %get3A_3 = vector.load %arg7[%get3A, %get3A_0, %get3A_1, %get3A_2] : memref<1x64x32x128xi32, #tpu.memory_space<vmem>>, vector<1x64x32x128xi32>
    %get3A_4 = vector.shape_cast %get3A_3 : vector<1x64x32x128xi32> to vector<64x32x128xi32>
    %convert_element_type3A = arith.sitofp %get3A_4 : vector<64x32x128xi32> to vector<64x32x128xf32>
    %reduce_sum3A = arith.constant dense<0.000000e+00> : vector<32x128xf32>
    %reduce_sum3A_5 = vector.multi_reduction <add>, %convert_element_type3A, %reduce_sum3A [0] : vector<64x32x128xf32> to vector<32x128xf32>
    %iota3A = tpu.iota {dimensions = array<i32: 0>} : vector<32x128xi32>
    %mul3A = arith.constant 128 : i32
    %mul3A_6 = vector.broadcast %mul3A : i32 to vector<32x128xi32>
    %mul3A_7 = arith.muli %iota3A, %mul3A_6 : vector<32x128xi32>
    %iota3A_8 = tpu.iota {dimensions = array<i32: 1>} : vector<32x128xi32>
    %add3A = arith.addi %mul3A_7, %iota3A_8 : vector<32x128xi32>
    %scan3A = arith.constant 0 : i32
    %scan3A_9 = arith.constant 4095 : i32
    %scan3A_10 = arith.constant 0 : i32
    %scan3A_11 = arith.constant 12 : i32
    %scan3A_12 = arith.addi %scan3A_10, %scan3A_11 : i32
    %scan3A_13 = arith.constant 1 : i32
    %scan3A_14:2 = scf.for %scan3A_151 = %scan3A_10 to %scan3A_12 step %scan3A_13 iter_args(%scan3A_152 = %scan3A, %scan3A_153 = %scan3A_9) -> (i32, i32)  : i32 {
      %add3A_154 = arith.addi %scan3A_152, %scan3A_153 : i32
      %jit3A_155 = arith.constant 2 : i32
      %div3A_156 = arith.divsi %add3A_154, %jit3A_155 : i32
      %sign3A = arith.constant 0 : i32
      %sign3A_157 = arith.cmpi sgt, %add3A_154, %sign3A : i32
      %sign3A_158 = arith.extui %sign3A_157 : i1 to i32
      %sign3A_159 = arith.constant 0 : i32
      %sign3A_160 = arith.cmpi slt, %add3A_154, %sign3A_159 : i32
      %sign3A_161 = arith.extui %sign3A_160 : i1 to i32
      %sign3A_162 = arith.subi %sign3A_158, %sign3A_161 : i32
      %sign3A_163 = arith.constant 0 : i32
      %sign3A_164 = arith.cmpi sgt, %jit3A_155, %sign3A_163 : i32
      %sign3A_165 = arith.extui %sign3A_164 : i1 to i32
      %sign3A_166 = arith.constant 0 : i32
      %sign3A_167 = arith.cmpi slt, %jit3A_155, %sign3A_166 : i32
      %sign3A_168 = arith.extui %sign3A_167 : i1 to i32
      %sign3A_169 = arith.subi %sign3A_165, %sign3A_168 : i32
      %ne3A = arith.cmpi ne, %sign3A_162, %sign3A_169 : i32
      %rem3A = arith.remsi %add3A_154, %jit3A_155 : i32
      %ne3A_170 = arith.constant 0 : i32
      %ne3A_171 = arith.cmpi ne, %rem3A, %ne3A_170 : i32
      %and3A_172 = arith.andi %ne3A, %ne3A_171 : i1
      %sub3A_173 = arith.constant 1 : i32
      %sub3A_174 = arith.subi %div3A_156, %sub3A_173 : i32
      %select_n3A_175 = arith.select %and3A_172, %sub3A_174, %div3A_156 : i32
      %le3A_176 = vector.broadcast %select_n3A_175 : i32 to vector<32x128xi32>
      %le3A_177 = arith.cmpi sle, %add3A, %le3A_176 : vector<32x128xi32>
      %jit3A_178 = arith.constant 0.000000e+00 : f32
      %broadcast_in_dim3A_179 = vector.broadcast %jit3A_178 : f32 to vector<32x128xf32>
      %select_n3A_180 = arith.select %le3A_177, %reduce_sum3A_5, %broadcast_in_dim3A_179 : vector<32x128xi1>, vector<32x128xf32>
      %reduce_sum3A_181 = vector.shape_cast %select_n3A_180 : vector<32x128xf32> to vector<1x32x128xf32>
      %reduce_sum3A_182 = arith.constant dense<0.000000e+00> : vector<1xf32>
      %reduce_sum3A_183 = vector.multi_reduction <add>, %reduce_sum3A_181, %reduce_sum3A_182 [1, 2] : vector<1x32x128xf32> to vector<1xf32>
      %reduce_sum3A_184 = vector.shape_cast %reduce_sum3A_183 : vector<1xf32> to vector<1x1x1xf32>
      %reduce_sum3A_185 = vector.extract %reduce_sum3A_184[0, 0, 0] : f32 from vector<1x1x1xf32>
      %ge3A_186 = arith.constant 7.340030e+05 : f32
      %ge3A_187 = arith.cmpf oge, %reduce_sum3A_185, %ge3A_186 : f32
      %add3A_188 = arith.constant 1 : i32
      %add3A_189 = arith.addi %select_n3A_175, %add3A_188 : i32
      %select_n3A_190 = arith.select %ge3A_187, %scan3A_152, %add3A_189 : i32
      %select_n3A_191 = arith.select %ge3A_187, %select_n3A_175, %scan3A_153 : i32
      scf.yield %select_n3A_190, %select_n3A_191 : i32, i32
    }
    %ge3A = arith.constant 2 : i32
    %ge3A_15 = arith.cmpi sge, %scan3A_14#0, %ge3A : i32
    %le3A = arith.constant 4093 : i32
    %le3A_16 = arith.cmpi sle, %scan3A_14#0, %le3A : i32
    %and3A = arith.andi %ge3A_15, %le3A_16 : i1
    %sub3A = arith.constant 2 : i32
    %sub3A_17 = arith.subi %scan3A_14#0, %sub3A : i32
    %convert_element_type3A_18 = arith.sitofp %sub3A_17 : i32 to f32
    %mul3A_19 = arith.constant 2.500000e-06 : f32
    %mul3A_20 = arith.mulf %convert_element_type3A_18, %mul3A_19 : f32
    %add3A_21 = arith.constant 6.951000e-01 : f32
    %add3A_22 = arith.addf %add3A_21, %mul3A_20 : f32
    %add3A_23 = arith.constant 1 : i32
    %add3A_24 = arith.addi %scan3A_14#0, %add3A_23 : i32
    %convert_element_type3A_25 = arith.sitofp %add3A_24 : i32 to f32
    %mul3A_26 = arith.constant 2.500000e-06 : f32
    %mul3A_27 = arith.mulf %convert_element_type3A_25, %mul3A_26 : f32
    %add3A_28 = arith.constant 6.951000e-01 : f32
    %add3A_29 = arith.addf %add3A_28, %mul3A_27 : f32
    %max3A = arith.constant 0.000000e+00 : f32
    %max3A_30 = arith.maximumf %add3A_22, %max3A : f32
    %bitcast_convert_type3A = arith.bitcast %max3A_30 : f32 to i32
    %min3A = arith.constant 1.000000e+00 : f32
    %min3A_31 = arith.minimumf %add3A_29, %min3A : f32
    %bitcast_convert_type3A_32 = arith.bitcast %min3A_31 : f32 to i32
    %jit3A = arith.constant 0 : i32
    %select_n3A = arith.select %and3A, %bitcast_convert_type3A, %jit3A : i32
    %jit3A_33 = arith.constant 1065353216 : i32
    %select_n3A_34 = arith.select %and3A, %bitcast_convert_type3A_32, %jit3A_33 : i32
    %bitcast_convert_type3A_35 = arith.bitcast %select_n3A : i32 to f32
    %get3A_36 = arith.constant 0 : index
    %get3A_37 = arith.constant 0 : index
    %get3A_38 = arith.constant 0 : index
    %get3A_39 = vector.load %arg1[%get3A_36, %get3A_37, %get3A_38] : memref<1x1024x1024xf32, #tpu.memory_space<vmem>>, vector<1x1024x1024xf32>
    %get3A_40 = vector.shape_cast %get3A_39 : vector<1x1024x1024xf32> to vector<1024x1024xf32>
    %le3A_41 = vector.broadcast %bitcast_convert_type3A_35 : f32 to vector<1024x1024xf32>
    %le3A_42 = arith.cmpf ole, %get3A_40, %le3A_41 : vector<1024x1024xf32>
    %convert_element_type3A_43 = arith.extui %le3A_42 : vector<1024x1024xi1> to vector<1024x1024xi32>
    %reduce_sum3A_44 = vector.shape_cast %convert_element_type3A_43 : vector<1024x1024xi32> to vector<1x1024x1024xi32>
    %reduce_sum3A_45 = arith.constant dense<0> : vector<1xi32>
    %reduce_sum3A_46 = vector.multi_reduction <add>, %reduce_sum3A_44, %reduce_sum3A_45 [1, 2] : vector<1x1024x1024xi32> to vector<1xi32>
    %reduce_sum3A_47 = vector.shape_cast %reduce_sum3A_46 : vector<1xi32> to vector<1x1x1xi32>
    %reduce_sum3A_48 = vector.extract %reduce_sum3A_47[0, 0, 0] : i32 from vector<1x1x1xi32>
    %bitcast_convert_type3A_49 = arith.bitcast %select_n3A_34 : i32 to f32
    %get3A_50 = arith.constant 0 : index
    %get3A_51 = arith.constant 0 : index
    %get3A_52 = arith.constant 0 : index
    %get3A_53 = vector.load %arg1[%get3A_50, %get3A_51, %get3A_52] : memref<1x1024x1024xf32, #tpu.memory_space<vmem>>, vector<1x1024x1024xf32>
    %get3A_54 = vector.shape_cast %get3A_53 : vector<1x1024x1024xf32> to vector<1024x1024xf32>
    %le3A_55 = vector.broadcast %bitcast_convert_type3A_49 : f32 to vector<1024x1024xf32>
    %le3A_56 = arith.cmpf ole, %get3A_54, %le3A_55 : vector<1024x1024xf32>
    %convert_element_type3A_57 = arith.extui %le3A_56 : vector<1024x1024xi1> to vector<1024x1024xi32>
    %reduce_sum3A_58 = vector.shape_cast %convert_element_type3A_57 : vector<1024x1024xi32> to vector<1x1024x1024xi32>
    %reduce_sum3A_59 = arith.constant dense<0> : vector<1xi32>
    %reduce_sum3A_60 = vector.multi_reduction <add>, %reduce_sum3A_58, %reduce_sum3A_59 [1, 2] : vector<1x1024x1024xi32> to vector<1xi32>
    %reduce_sum3A_61 = vector.shape_cast %reduce_sum3A_60 : vector<1xi32> to vector<1x1x1xi32>
    %reduce_sum3A_62 = vector.extract %reduce_sum3A_61[0, 0, 0] : i32 from vector<1x1x1xi32>
    %le3A_63 = arith.constant 734002 : i32
    %le3A_64 = arith.cmpi sle, %reduce_sum3A_48, %le3A_63 : i32
    %ge3A_65 = arith.constant 734003 : i32
    %ge3A_66 = arith.cmpi sge, %reduce_sum3A_62, %ge3A_65 : i32
    %and3A_67 = arith.andi %le3A_64, %ge3A_66 : i1
    %jit3A_68 = arith.constant 0 : i32
    %select_n3A_69 = arith.select %and3A_67, %select_n3A, %jit3A_68 : i32
    %jit3A_70 = arith.constant 1065353216 : i32
    %select_n3A_71 = arith.select %and3A_67, %select_n3A_34, %jit3A_70 : i32
    %while3A:2 = scf.while (%while3A_151 = %select_n3A_69, %while3A_152 = %select_n3A_71) : (i32, i32) -> (i32, i32) {
      %lt3A = arith.cmpi slt, %while3A_151, %while3A_152 : i32
      scf.condition(%lt3A) %while3A_151, %while3A_152 : i32, i32
    } do {
    ^bb0(%while3A_151: i32, %while3A_152: i32):
      %add3A_153 = arith.addi %while3A_151, %while3A_152 : i32
      %jit3A_154 = arith.constant 2 : i32
      %div3A_155 = arith.divsi %add3A_153, %jit3A_154 : i32
      %sign3A = arith.constant 0 : i32
      %sign3A_156 = arith.cmpi sgt, %add3A_153, %sign3A : i32
      %sign3A_157 = arith.extui %sign3A_156 : i1 to i32
      %sign3A_158 = arith.constant 0 : i32
      %sign3A_159 = arith.cmpi slt, %add3A_153, %sign3A_158 : i32
      %sign3A_160 = arith.extui %sign3A_159 : i1 to i32
      %sign3A_161 = arith.subi %sign3A_157, %sign3A_160 : i32
      %sign3A_162 = arith.constant 0 : i32
      %sign3A_163 = arith.cmpi sgt, %jit3A_154, %sign3A_162 : i32
      %sign3A_164 = arith.extui %sign3A_163 : i1 to i32
      %sign3A_165 = arith.constant 0 : i32
      %sign3A_166 = arith.cmpi slt, %jit3A_154, %sign3A_165 : i32
      %sign3A_167 = arith.extui %sign3A_166 : i1 to i32
      %sign3A_168 = arith.subi %sign3A_164, %sign3A_167 : i32
      %ne3A = arith.cmpi ne, %sign3A_161, %sign3A_168 : i32
      %rem3A = arith.remsi %add3A_153, %jit3A_154 : i32
      %ne3A_169 = arith.constant 0 : i32
      %ne3A_170 = arith.cmpi ne, %rem3A, %ne3A_169 : i32
      %and3A_171 = arith.andi %ne3A, %ne3A_170 : i1
      %sub3A_172 = arith.constant 1 : i32
      %sub3A_173 = arith.subi %div3A_155, %sub3A_172 : i32
      %select_n3A_174 = arith.select %and3A_171, %sub3A_173, %div3A_155 : i32
      %bitcast_convert_type3A_175 = arith.bitcast %select_n3A_174 : i32 to f32
      %get3A_176 = arith.constant 0 : index
      %get3A_177 = arith.constant 0 : index
      %get3A_178 = arith.constant 0 : index
      %get3A_179 = vector.load %arg1[%get3A_176, %get3A_177, %get3A_178] : memref<1x1024x1024xf32, #tpu.memory_space<vmem>>, vector<1x1024x1024xf32>
      %get3A_180 = vector.shape_cast %get3A_179 : vector<1x1024x1024xf32> to vector<1024x1024xf32>
      %le3A_181 = vector.broadcast %bitcast_convert_type3A_175 : f32 to vector<1024x1024xf32>
      %le3A_182 = arith.cmpf ole, %get3A_180, %le3A_181 : vector<1024x1024xf32>
      %convert_element_type3A_183 = arith.extui %le3A_182 : vector<1024x1024xi1> to vector<1024x1024xi32>
      %reduce_sum3A_184 = vector.shape_cast %convert_element_type3A_183 : vector<1024x1024xi32> to vector<1x1024x1024xi32>
      %reduce_sum3A_185 = arith.constant dense<0> : vector<1xi32>
      %reduce_sum3A_186 = vector.multi_reduction <add>, %reduce_sum3A_184, %reduce_sum3A_185 [1, 2] : vector<1x1024x1024xi32> to vector<1xi32>
      %reduce_sum3A_187 = vector.shape_cast %reduce_sum3A_186 : vector<1xi32> to vector<1x1x1xi32>
      %reduce_sum3A_188 = vector.extract %reduce_sum3A_187[0, 0, 0] : i32 from vector<1x1x1xi32>
      %ge3A_189 = arith.constant 734003 : i32
      %ge3A_190 = arith.cmpi sge, %reduce_sum3A_188, %ge3A_189 : i32
      %add3A_191 = arith.constant 1 : i32
      %add3A_192 = arith.addi %select_n3A_174, %add3A_191 : i32
      %select_n3A_193 = arith.select %ge3A_190, %while3A_151, %add3A_192 : i32
      %select_n3A_194 = arith.select %ge3A_190, %select_n3A_174, %while3A_152 : i32
      scf.yield %select_n3A_193, %select_n3A_194 : i32, i32
    }
    %bitcast_convert_type3A_72 = arith.bitcast %while3A#0 : i32 to f32
    %get3A_73 = arith.constant 0 : index
    %get3A_74 = arith.constant 0 : index
    %get3A_75 = arith.constant 0 : index
    %get3A_76 = vector.load %arg1[%get3A_73, %get3A_74, %get3A_75] : memref<1x1024x1024xf32, #tpu.memory_space<vmem>>, vector<1x1024x1024xf32>
    %get3A_77 = vector.shape_cast %get3A_76 : vector<1x1024x1024xf32> to vector<1024x1024xf32>
    %le3A_78 = vector.broadcast %bitcast_convert_type3A_72 : f32 to vector<1024x1024xf32>
    %le3A_79 = arith.cmpf ole, %get3A_77, %le3A_78 : vector<1024x1024xf32>
    %convert_element_type3A_80 = arith.extui %le3A_79 : vector<1024x1024xi1> to vector<1024x1024xi32>
    %reduce_sum3A_81 = vector.shape_cast %convert_element_type3A_80 : vector<1024x1024xi32> to vector<1x1024x1024xi32>
    %reduce_sum3A_82 = arith.constant dense<0> : vector<1xi32>
    %reduce_sum3A_83 = vector.multi_reduction <add>, %reduce_sum3A_81, %reduce_sum3A_82 [1, 2] : vector<1x1024x1024xi32> to vector<1xi32>
    %reduce_sum3A_84 = vector.shape_cast %reduce_sum3A_83 : vector<1xi32> to vector<1x1x1xi32>
    %reduce_sum3A_85 = vector.extract %reduce_sum3A_84[0, 0, 0] : i32 from vector<1x1x1xi32>
    %gt3A = vector.broadcast %bitcast_convert_type3A_72 : f32 to vector<1024x1024xf32>
    %gt3A_86 = arith.cmpf ogt, %get3A_77, %gt3A : vector<1024x1024xf32>
    %jit3A_87 = arith.constant 2.000000e+00 : f32
    %broadcast_in_dim3A = vector.broadcast %jit3A_87 : f32 to vector<1024x1024xf32>
    %select_n3A_88 = arith.select %gt3A_86, %get3A_77, %broadcast_in_dim3A : vector<1024x1024xi1>, vector<1024x1024xf32>
    %reduce_min3A = vector.shape_cast %select_n3A_88 : vector<1024x1024xf32> to vector<1x1024x1024xf32>
    %reduce_min3A_89 = arith.constant dense<0x7F800000> : vector<1xf32>
    %reduce_min3A_90 = vector.multi_reduction <minimumf>, %reduce_min3A, %reduce_min3A_89 [1, 2] : vector<1x1024x1024xf32> to vector<1xf32>
    %reduce_min3A_91 = vector.shape_cast %reduce_min3A_90 : vector<1xf32> to vector<1x1x1xf32>
    %reduce_min3A_92 = vector.extract %reduce_min3A_91[0, 0, 0] : f32 from vector<1x1x1xf32>
    %ge3A_93 = arith.constant 734004 : i32
    %ge3A_94 = arith.cmpi sge, %reduce_sum3A_85, %ge3A_93 : i32
    %select_n3A_95 = arith.select %ge3A_94, %bitcast_convert_type3A_72, %reduce_min3A_92 : f32
    %mul3A_96 = arith.constant 5.000000e-01 : f32
    %mul3A_97 = arith.mulf %mul3A_96, %bitcast_convert_type3A_72 : f32
    %mul3A_98 = arith.constant 5.000000e-01 : f32
    %mul3A_99 = arith.mulf %mul3A_98, %select_n3A_95 : f32
    %add3A_100 = arith.addf %mul3A_97, %mul3A_99 : f32
    %get3A_101 = arith.constant 0 : index
    %get3A_102 = arith.constant 0 : index
    %get3A_103 = arith.constant 0 : index
    %get3A_104 = vector.load %arg1[%get3A_101, %get3A_102, %get3A_103] : memref<1x1024x1024xf32, #tpu.memory_space<vmem>>, vector<1x1024x1024xf32>
    %get3A_105 = vector.shape_cast %get3A_104 : vector<1x1024x1024xf32> to vector<1024x1024xf32>
    %gt3A_106 = vector.broadcast %add3A_100 : f32 to vector<1024x1024xf32>
    %gt3A_107 = arith.cmpf ogt, %get3A_105, %gt3A_106 : vector<1024x1024xf32>
    %convert_element_type3A_108 = arith.extui %gt3A_107 : vector<1024x1024xi1> to vector<1024x1024xi32>
    %convert_element_type3A_109 = arith.sitofp %convert_element_type3A_108 : vector<1024x1024xi32> to vector<1024x1024xf32>
    %get3A_110 = arith.constant 0 : index
    %get3A_111 = arith.constant 0 : index
    %get3A_112 = arith.constant 0 : index
    %get3A_113 = vector.load %arg2[%get3A_110, %get3A_111, %get3A_112] : memref<1x1024x128xf32, #tpu.memory_space<vmem>>, vector<1x1024x128xf32>
    %get3A_114 = vector.shape_cast %get3A_113 : vector<1x1024x128xf32> to vector<1024x128xf32>
    %get3A_115 = arith.constant 0 : index
    %get3A_116 = arith.constant 0 : index
    %get3A_117 = vector.load %arg3[%get3A_115, %get3A_116] : memref<128x128xf32, #tpu.memory_space<vmem>>, vector<128x128xf32>
    %dot_general3A = arith.constant dense<0.000000e+00> : vector<1024x128xf32>
    %dot_general3A_118 = tpu.matmul %get3A_114, %get3A_117, %dot_general3A {dimension_numbers = #tpu.dot_dimension_numbers<[1], [0], [0], [1], [0, 0, 1, 1], [], []>, transpose_lhs_hint = false} : vector<1024x128xf32>, vector<128x128xf32>, vector<1024x128xf32> -> vector<1024x128xf32>
    %get3A_119 = arith.constant 0 : index
    %get3A_120 = arith.constant 0 : index
    %get3A_121 = vector.load %arg4[%get3A_119, %get3A_120] : memref<1x128xf32, #tpu.memory_space<vmem>>, vector<1x128xf32>
    %add3A_122 = vector.broadcast %get3A_121 : vector<1x128xf32> to vector<1024x128xf32>
    %add3A_123 = arith.addf %dot_general3A_118, %add3A_122 : vector<1024x128xf32>
    %dot_general3A_124 = arith.constant dense<0.000000e+00> : vector<1024x128xf32>
    %dot_general3A_125 = tpu.matmul %convert_element_type3A_109, %add3A_123, %dot_general3A_124 {dimension_numbers = #tpu.dot_dimension_numbers<[1], [0], [0], [1], [0, 0, 1, 1], [], []>, transpose_lhs_hint = false} : vector<1024x1024xf32>, vector<1024x128xf32>, vector<1024x128xf32> -> vector<1024x128xf32>
    %max3A_126 = arith.constant 0.000000e+00 : f32
    %max3A_127 = vector.broadcast %max3A_126 : f32 to vector<1024x128xf32>
    %max3A_128 = arith.maximumf %dot_general3A_125, %max3A_127 : vector<1024x128xf32>
    %get3A_129 = arith.constant 0 : index
    %get3A_130 = arith.constant 0 : index
    %get3A_131 = vector.load %arg5[%get3A_129, %get3A_130] : memref<128x128xf32, #tpu.memory_space<vmem>>, vector<128x128xf32>
    %dot_general3A_132 = arith.constant dense<0.000000e+00> : vector<1024x128xf32>
    %dot_general3A_133 = tpu.matmul %max3A_128, %get3A_131, %dot_general3A_132 {dimension_numbers = #tpu.dot_dimension_numbers<[1], [0], [0], [1], [0, 0, 1, 1], [], []>, transpose_lhs_hint = false} : vector<1024x128xf32>, vector<128x128xf32>, vector<1024x128xf32> -> vector<1024x128xf32>
    %get3A_134 = arith.constant 0 : index
    %get3A_135 = arith.constant 0 : index
    %get3A_136 = vector.load %arg6[%get3A_134, %get3A_135] : memref<1x128xf32, #tpu.memory_space<vmem>>, vector<1x128xf32>
    %add3A_137 = vector.broadcast %get3A_136 : vector<1x128xf32> to vector<1024x128xf32>
    %add3A_138 = arith.addf %dot_general3A_133, %add3A_137 : vector<1024x128xf32>
    %dot_general3A_139 = arith.constant dense<0.000000e+00> : vector<1024x128xf32>
    %dot_general3A_140 = tpu.matmul %convert_element_type3A_109, %add3A_138, %dot_general3A_139 {dimension_numbers = #tpu.dot_dimension_numbers<[1], [0], [0], [1], [0, 0, 1, 1], [], []>, transpose_lhs_hint = false} : vector<1024x1024xf32>, vector<1024x128xf32>, vector<1024x128xf32> -> vector<1024x128xf32>
    %max3A_141 = arith.constant 0.000000e+00 : f32
    %max3A_142 = vector.broadcast %max3A_141 : f32 to vector<1024x128xf32>
    %max3A_143 = arith.maximumf %dot_general3A_140, %max3A_142 : vector<1024x128xf32>
    %reduce_sum3A_144 = arith.constant dense<0.000000e+00> : vector<128xf32>
    %reduce_sum3A_145 = vector.multi_reduction <add>, %max3A_143, %reduce_sum3A_144 [0] : vector<1024x128xf32> to vector<128xf32>
    %broadcast_in_dim3A_146 = vector.shape_cast %reduce_sum3A_145 : vector<128xf32> to vector<1x128xf32>
    %div3A = arith.constant 1.024000e+03 : f32
    %div3A_147 = vector.broadcast %div3A : f32 to vector<1x128xf32>
    %div3A_148 = arith.divf %broadcast_in_dim3A_146, %div3A_147 : vector<1x128xf32>
    %swap3A = arith.index_cast %arg0 : i32 to index
    %swap3A_149 = arith.constant 0 : index
    %swap3A_150 = vector.load %arg8[%swap3A, %swap3A_149] : memref<8x128xf32, #tpu.memory_space<vmem>>, vector<1x128xf32>
    tpu.vector_store %arg8[%swap3A, %swap3A_149], %div3A_148 {strides = array<i32>} : memref<8x128xf32, #tpu.memory_space<vmem>>, vector<1x128xf32>,
    return
  }
  func.func @transform_0(%arg0: i32) -> (i32, i32, i32) {
    %c0_i32 = arith.constant 0 : i32
    %c0_i32_0 = arith.constant 0 : i32
    %c0_i32_1 = arith.constant 0 : i32
    return %arg0, %c0_i32, %c0_i32_0 : i32, i32, i32
  }
  func.func @transform_1(%arg0: i32) -> (i32, i32, i32) {
    %c0_i32 = arith.constant 0 : i32
    %c0_i32_0 = arith.constant 0 : i32
    %c0_i32_1 = arith.constant 0 : i32
    return %arg0, %c0_i32, %c0_i32_0 : i32, i32, i32
  }
  func.func @transform_2(%arg0: i32) -> (i32, i32) {
    %c0_i32 = arith.constant 0 : i32
    %c0_i32_0 = arith.constant 0 : i32
    %c0_i32_1 = arith.constant 0 : i32
    return %c0_i32, %c0_i32_0 : i32, i32
  }
  func.func @transform_3(%arg0: i32) -> (i32, i32) {
    %c0_i32 = arith.constant 0 : i32
    %c0_i32_0 = arith.constant 0 : i32
    %c0_i32_1 = arith.constant 0 : i32
    return %c0_i32, %c0_i32_0 : i32, i32
  }
  func.func @transform_4(%arg0: i32) -> (i32, i32) {
    %c0_i32 = arith.constant 0 : i32
    %c0_i32_0 = arith.constant 0 : i32
    %c0_i32_1 = arith.constant 0 : i32
    return %c0_i32, %c0_i32_0 : i32, i32
  }
  func.func @transform_5(%arg0: i32) -> (i32, i32) {
    %c0_i32 = arith.constant 0 : i32
    %c0_i32_0 = arith.constant 0 : i32
    %c0_i32_1 = arith.constant 0 : i32
    return %c0_i32, %c0_i32_0 : i32, i32
  }
  func.func @transform_6(%arg0: i32) -> (i32, i32, i32, i32) {
    %c0_i32 = arith.constant 0 : i32
    %c0_i32_0 = arith.constant 0 : i32
    %c0_i32_1 = arith.constant 0 : i32
    %c0_i32_2 = arith.constant 0 : i32
    return %arg0, %c0_i32, %c0_i32_0, %c0_i32_1 : i32, i32, i32, i32
  }
  func.func @transform_7(%arg0: i32) -> (i32, i32) {
    %c0_i32 = arith.constant 0 : i32
    %c0_i32_0 = arith.constant 0 : i32
    %c0_i32_1 = arith.constant 0 : i32
    return %c0_i32, %c0_i32_0 : i32, i32
  }
}

</mosaic_0001>

<sc_bundles>
// kernel: kernel.4.cloned.1.call-start
scs
__scs_entry_jumppad:
0x0: {  	(pc) =	sbr.rel $0x88, $3  }
0x1: {  	(tag) =	ssettag $0x0;
	lr =	simm.s32 $0x1  }
0x2: {  	[smem:$0x3F9B] =	sst lr;
	_ =	strace $0xD0000000  }
0x3: {  	_ = 	snop  }
0x4: {  	_ = 	snop  }
0x5: {  	_ = 	snop  }
0x6: {  	_ = 	snop  }
0x7: {  	_ = 	snop  }
__scs_overlays_trampoline_lowered:
0x8: {  	[smem:$0x3FAA] =	sst s0  }
0x9: {  	[smem:$0x3FAB] =	sst s1  }
0xa: {  	[smem:$0x3FAC] =	sst s2  }
0xb: {  	[smem:$0x3FAD] =	sst s3  }
0xc: {  	[smem:$0x3FAE] =	sst s4  }
0xd: {  	[smem:$0x3FAF] =	sst s5  }
0xe: {  	[smem:$0x3FB0] =	sst s6  }
0xf: {  	[smem:$0x3FB1] =	sst s7  }
0x10: {  	[smem:$0x3FB2] =	sst s8  }
0x11: {  	[smem:$0x3FB3] =	sst s9;
	s0 =	simm.s32 @!p0 $0x0  }
0x12: {  	s1 =	sld [smem:$0x3F99];
	s0 =	simm.s32 @p0 $0x1  }
0x13: {  	[smem:$0x3FB4] =	sst s0;
	s0 =	simm.s32 @!p1 $0x0  }
0x14: {  	s2 =	sld [smem:$0x3F98];
	s0 =	simm.s32 @p1 $0x1  }
0x15: {  	[smem:$0x3FB5] =	sst s0;
	s0 =	simm.s32 @!p2 $0x0  }
0x16: {  	s3 =	sld [smem:$0x3FDB];
	s0 =	simm.s32 @p2 $0x1  }
0x17: {  	s4 =	simm.s32 $0x1BF5;
	[smem:$0x3FB7] =	sst s0  }
0x18: {  	s0 =	sld [smem:$0x3F9A];
	_ =	swait.ge [sflag:s4], $0x0  }
0x19: {  	s7 =	sld [smem:$0x3F9B]  }
0x1a: {  	s8 =	sadd.s32 $0xFFFFE003, lr  }
0x1b: {  	s9 =	sadd.s32 $0xFFFFFEF7, lr;
	s5 =	simm.s32 $0xFFFFFFFF;
	p2 =	slt.u32 s8, $0xFFFFF086  }
0x1c: {  	p1 =	slt.u32 s9, $0xF7A;
	s5 =	simm.s32 @!p2 $0x0  }
0x1d: {  	s5 =	simm.s32 @p1 $0x1;
	p0 =	seq.s32 s7, s2  }
0x1e: {  	s7 =	smul.u32 @!p0 $0xF7A, s2;
	p2 =	seq.s32 @!p0 s5, $0x0  }
0x1f: {  	s9 =	smul.u32 $0xF7A, s1;
	s8 =	simm.s32 @!p0 $0x1BF5;
	p2 =	por !p2, p0  }
0x20: {  	[sflag:s8] =	ssyncset.s32 @!p0 $0xFFFFF086;
	s6 =	sadd.s32 @!p0 s3, s7;
	s7 =	simm.s32 @!p0 $0x108  }
0x21: {  	s3 =	sadd.s32 s3, s9;
	s6 =	sadd.s32 @!p0 $0x88, s6;
	s7 =	simm.s32 @p2 $0x1082  }
0x22: {  	[simem:s7], [sflag:s8] =	dma.local @!p0 [hbm:s6], $0xF7A  }
0x23: {  	s9 =	sor.u32 $0xD0000000, s2;
	s6 =	simm.s32 $0x108;
	_ =	swait.ge @!p0 [sflag:s8], $0x0  }
0x24: {  	s3 =	sadd.s32 $0x88, s3;
	s6 =	simm.s32 @!p1 $0x1082;
	[sflag:s4] =	ssyncset.s32 $0xFFFFF086  }
0x25: {  	[simem:s6], [sflag:s4] =	dma.local [hbm:s3], $0xF7A  }
0x26: {  	[smem:$0x3F9B] =	sst s1;
	(tag) =	ssettag s2;
	_ =	strace s9  }
0x27: {  	s1 =	sld [smem:$0x3FAB]  }
0x28: {  	s2 =	sld [smem:$0x3FAC]  }
0x29: {  	s4 =	sld [smem:$0x3FAE]  }
0x2a: {  	p0 =	seq.s32 s5, $0x0;
	s5 =	sld [smem:$0x3FAF]  }
0x2b: {  	s6 =	sld [smem:$0x3FB0]  }
0x2c: {  	s7 =	sld [smem:$0x3FB1]  }
0x2d: {  	s3 =	simm.s32 $0x108;
	s8 =	sld [smem:$0x3FB2]  }
0x2e: {  	s3 =	simm.s32 @!p0 $0x1082;
	s9 =	sld [smem:$0x3FB3]  }
0x2f: {  	lr =	sadd.s32 s0, s3;
	s0 =	sld [smem:$0x3FAA]  }
0x30: {  	s3 =	sld [smem:$0x3FAD]  }
0x31: {  	[smem:$0x3FB6] =	sst s10  }
0x32: {  	s10 =	sld [smem:$0x3FB4];
	_ =	sdelay $0x3  }
0x33: {  	p0 =	seq.s32 s10, $0x1;
	s10 =	sld [smem:$0x3FB6];
	_ =	sdelay $0x3  }
0x34: {  	[smem:$0x3FB6] =	sst s10  }
0x35: {  	s10 =	sld [smem:$0x3FB5];
	_ =	sdelay $0x3  }
0x36: {  	p1 =	seq.s32 s10, $0x1;
	s10 =	sld [smem:$0x3FB6];
	_ =	sdelay $0x3  }
0x37: {  	[smem:$0x3FB6] =	sst s10  }
0x38: {  	s10 =	sld [smem:$0x3FB7]  }
0x39: {  	_ = 	snop;
	(pc) =	sbr.ind lr, $3  }
0x3a: {  	_ = 	snop  }
0x3b: {  	_ = 	snop  }
0x3c: {  	p2 =	seq.s32 s10, $0x1;
	s10 =	sld [smem:$0x3FB6]  }
0x3d: {  	_ =	shalt  }
0x3e: {  	_ =	shalt  }
0x3f: {  	_ =	shalt  }
0x40: {  	_ =	shalt  }
0x41: {  	_ =	shalt  }
0x42: {  	_ =	shalt  }
0x43: {  	_ =	shalt  }
0x44: {  	_ =	shalt  }
0x45: {  	_ =	shalt  }
0x46: {  	_ =	shalt  }
0x47: {  	_ =	shalt  }
0x48: {  	_ =	shalt  }
0x49: {  	_ =	shalt  }
0x4a: {  	_ =	shalt  }
0x4b: {  	_ =	shalt  }
0x4c: {  	_ =	shalt  }
0x4d: {  	_ =	shalt  }
0x4e: {  	_ =	shalt  }
0x4f: {  	_ =	shalt  }
0x50: {  	_ =	shalt  }
0x51: {  	_ =	shalt  }
0x52: {  	_ =	shalt  }
0x53: {  	_ =	shalt  }
0x54: {  	_ =	shalt  }
0x55: {  	_ =	shalt  }
0x56: {  	_ =	shalt  }
0x57: {  	_ =	shalt  }
0x58: {  	_ =	shalt  }
0x59: {  	_ =	shalt  }
0x5a: {  	_ =	shalt  }
0x5b: {  	_ =	shalt  }
0x5c: {  	_ =	shalt  }
0x5d: {  	_ =	shalt  }
0x5e: {  	_ =	shalt  }
0x5f: {  	_ =	shalt  }
0x60: {  	_ =	shalt  }
0x61: {  	_ =	shalt  }
0x62: {  	_ =	shalt  }
0x63: {  	_ =	shalt  }
0x64: {  	_ =	shalt  }
0x65: {  	_ =	shalt  }
0x66: {  	_ =	shalt  }
0x67: {  	_ =	shalt  }
0x68: {  	_ =	shalt  }
0x69: {  	_ =	shalt  }
0x6a: {  	_ =	shalt  }
0x6b: {  	_ =	shalt  }
0x6c: {  	_ =	shalt  }
0x6d: {  	_ =	shalt  }
0x6e: {  	_ =	shalt  }
0x6f: {  	_ =	shalt  }
0x70: {  	_ =	shalt  }
0x71: {  	_ =	shalt  }
0x72: {  	_ =	shalt  }
0x73: {  	_ =	shalt  }
0x74: {  	_ =	shalt  }
0x75: {  	_ =	shalt  }
0x76: {  	_ =	shalt  }
0x77: {  	_ =	shalt  }
0x78: {  	_ =	shalt  }
0x79: {  	_ =	shalt  }
0x7a: {  	_ =	shalt  }
0x7b: {  	_ =	shalt  }
0x7c: {  	_ =	shalt  }
0x7d: {  	_ =	shalt  }
0x7e: {  	_ =	shalt  }
0x7f: {  	_ =	shalt  }
0x80: {  	_ =	shalt  }
0x81: {  	_ =	shalt  }
0x82: {  	_ =	shalt  }
0x83: {  	_ =	shalt  }
0x84: {  	_ =	shalt  }
0x85: {  	_ =	shalt  }
0x86: {  	_ =	shalt  }
0x87: {  	_ =	shalt  }
.Lfunc_end0:
.L_simem_size_0:
called_computation.1_lowered:
.L_overlay_start_0:
0x88: {  	s2 =	sld [smem:$0x3FD9]  }
0x89: {  	s3 =	sld [smem:$0x3FFE];
	_ =	sdelay $0x1  }
0x8a: {  	s1 =	srdreg.scid  }
0x8b: {  	s0 =	sand.u32 $0x1, s1  }
0x8c: {  	s16 =	sshll.u32 s0, $0xA;
	s2 =	sadd.s32 s3, s2  }
0x8d: {  	s2 =	sadd.s32 s2, s16  }
0x8e: {  	[smem:$0x3FC2] =	sst s2  }
0x8f: {  	_ = 	snop  }
0x90: {  	(tm) =	ssettm $0x1  }
0x91: {  	s17 =	sld [smem:$0x3FFB];
	_ =	sdelay $0x3  }
0x92: {  	_ =	strace s17  }
0x93: {  	s2 =	sld [smem:$0x3FFC];
	_ =	sdelay $0x3  }
0x94: {  	_ =	strace s2  }
0x95: {  	s2 =	sld [smem:$0x3FFD];
	_ =	sdelay $0x3  }
0x96: {  	_ =	strace s2  }
0x97: {  	_ =	strace $0x8FFFFFFF  }
0x98: {  	s18 =	sld [smem:$0x3FDB];
	_ =	sdelay $0x1  }
0x99: {  	s19 =	simm.s32 $_scs_section_size  }
0x9a: {  	s4 =	simm.s32 $_size__tile_overlayer_lowered;
	s5 =	simm.s32 $_tile_overlayer_lowered  }
0x9b: {  	s22 =	simm.s32 $0x1BFF;
	s21 =	sshll.u32 s5, $0x1;
	s2 =	sadd.s32 s19, s18  }
0x9c: {  	s6 =	simm.s32 $0x0;
	s20 =	sshll.u32 s4, $0x1;
	s4 =	sadd.s32 s21, s2  }
0x9d: {  	[timem:s6], [sflag:s22] =	dma.local [hbm:s4], s20  }
0x9e: {  	_ =	swait.ge [sflag:s22], s20  }
0x9f: {  	s3 =	ssub.s32 $0x0, s20;
	[sflag:s22] =	ssyncset.done $0x0  }
0xa0: {  	[sflag:s22] =	ssyncadd.s32 s3;
	_ =	sdelay $0x1  }
0xa1: {  	s23 =	simm.s32 $0x1B8B  }
0xa2: {  	_ =	swait.ge [sflag:s23], $0x1  }
0xa3: {  	[sflag:s23] =	ssyncset.done $0x0  }
0xa4: {  	s25 =	simm.s32 $0x1B8E;
	s24 =	sld [smem:$0x3FFE];
	[sflag:s23] =	ssyncadd.s32 $0xFFFFFFFF  }
0xa5: {  	s26 =	simm.s32 $execute0_lowered;
	[smem:$0x3FD2] =	sst s25  }
0xa6: {  	s4 =	sshll.u32 s26, $0x1;
	_ =	strace $0x80000049;
	[dreg:$0x1] =	wrdreg $0xFFFFFFFF  }
0xa7: {  	s28 =	simm.s32 $_size_execute0_lowered;
	s2 =	sadd.s32 s2, s4;
	[dreg:$0x0] =	wrdreg $0x0  }
0xa8: {  	s4 =	sshll.u32 s28, $0x1;
	[dreg:$0x2] =	wrdreg s2  }
0xa9: {  	[dreg:$0x3] =	wrdreg s4  }
0xaa: {  	[dreg:$0x4] =	wrdreg $0xC0  }
0xab: {  	_ =	task [dreg:s6], $0x5FFFF  }
0xac: {  	[dreg:$0x1] =	wrdreg $0xFFFFFFFF  }
0xad: {  	[dreg:$0x0] =	wrdreg $0x60  }
0xae: {  	[dreg:$0x2] =	wrdreg s24  }
0xaf: {  	[dreg:$0x3] =	wrdreg $0x9  }
0xb0: {  	_ =	task.clear_ibuf [dreg:s6], $0x4FFFF;
	_ =	strace $0x90000049  }
0xb1: {  	s29 =	simm.s32 $0x9;
	_ =	strace $0x8000004B  }
0xb2: {  	_ =	swait.ge [sflag:s29], $0x1  }
0xb3: {  	[sflag:s29] =	ssyncadd.s32 $0xFFFFFFFF  }
0xb4: {  	_ =	strace $0x9000004B  }
0xb5: {  	_ =	sfence  }
0xb6: {  	s30 =	sld [smem:$0x0];
	_ =	sdelay $0x2  }
0xb7: {  	s31 =	sshll.u32 s1, $0xD;
	s1 =	sshrl.u32 s1, $0x2  }
0xb8: {  	s3 =	sand.u32 $0x4000, s31;
	s1 =	sadd.s32 s1, s30  }
0xb9: {  	s0 =	sor.u32 s3, s0;
	s1 =	sshll.u32 s1, $0x11  }
0xba: {  	s0 =	sor.u32 s1, s0  }
0xbb: {  	s0 =	sadd.s32 $0x8F2B, s0  }
0xbc: {  	[sflag:s0] =	ssyncadd.remote.s32 $0x1  }
0xbd: {  	_ =	sfence.sel $0xFFFF  }
0xbe: {  	[dreg:$0x0] =	wrdreg $0xFFFFFFFF;
	(pc) =	sbr.abs _section_cstart, $3  }
0xbf: {  	[dreg:$0x1] =	wrdreg $0xFFFFFFFF  }
0xc0: {  	_ =	task.clear_ibuf [dreg:s6], $0x2FFFF;
	_ =	strace $0x9FFFFFFF  }
0xc1: {  	(tm) =	ssettm $0x7FFFFFFF  }
tec
execute0_lowered:
.L_overlay_start_1:
0x0: {  	(tag) =	ssettag $0x1  }
0x1: {  	s4 =	rddreg [dreg:$0x0]  }
0x2: {  	s0 =	rddreg [dreg:$0x1];
	s2 =	simm.s32 $0x0;
	s1 =	stileid.u32  }
0x3: {  	s6 =	srdreg.scid;
	s11 =	simm.s32 $0x1;
	s12 =	simm.s32 $0x4000  }
0x4: {  	s13 =	simm.s32 $0x2;
	s14 =	simm.s32 $0x80;
	s15 =	simm.s32 $0x400  }
0x5: {  	s16 =	simm.s32 $0x3;
	s17 =	simm.s32 $0x0;
	[smem:$0x7FF] =	sst s2  }
0x6: {  	s3 =	sadd.s32 $0x1200, s4;
	s5 =	sshll.u32 s1, $0xE;
	s6 =	sand.u32 $0x1, s6  }
0x7: {  	s7 =	sshll.u32 s1, $0x1;
	_ =	strace $0x8000004A;
	s5 =	sand.u32 $0x30000, s5  }
0x8: {  	s26 =	ssub.s32 $0x2, s6;
	s28 =	sor.u32 s6, s7;
	s8 =	sadd.s32 s5, s4  }
.Ltmp0:
0x9: {  	s29 =	sshrl.u32 s26, $0x1;
	s7 =	sshll.u32 s28, $0xF;
	(pc) =	sbr.rel .LBB2_1-.Ltmp0, $4  }
0xa: {  	s9 =	sshll.u32 s28, $0x4;
	s31 =	sshll.u32 s28, $0x12;
	s10 =	ssub.s32 s26, s29  }
0xb: {  	s4 =	sadd.s32 s3, s7;
	s30 =	sand.u32 $0x70, s9;
	s6 =	sor.u32 $0x4000, s31  }
0xc: {  	v1 =	vlaneseq.u32;
	s7 =	sor.u32 $0x6000, s31;
	s5 =	sadd.s32 $0x400, s4;
	s8 =	sadd.s32 s30, s8  }
0xd: {  	v0 =	vimm.s32 $0x0;
	v2 =	vimm.s32 $0x1;
	v1 =	vmul.u32 $0x1000, v1;
	s9 =	smax.u32 s10, $0x1;
	s10 =	simm.s32 $0x2000;
	s8 =	sadd.s32 $0x101200, s8  }
.LBB2_10:
0xe: {  	s17 =	sadd.s32 $0x1, s17  }
0xf: {  	p0 =	sne.s32 s17, s9  }
.Ltmp1:
0x10: {  	_ = 	snop;
	(pc) =	sbr.rel @!p0 .LBB2_11-.Ltmp1, $4  }
0x11: {  	[hbm4b:s8+s14] =	stream.strided.scatter [tilespmem:s12], [sflag:$0x3], $0x10000, s15, s14, $0x38;
	[tilespmem:$0x14000] =	vst v63  }
0x12: {  	_ =	swait.ge [sflag:s16], $0x10000  }
0x13: {  	[sflag:s16] =	ssyncset.done $0x0  }
0x14: {  	[sflag:s16] =	ssyncadd.s32 $0xFFFF0000  }
.LBB2_1:
0x15: {  	s18 =	simm.s32 $0x40;
	s19 =	simm.s32 $0x0  }
.LBB2_2:
0x16: {  	p0 =	sne.s32 s18, $0x3FFC0;
	[tilespmem:s19+$0x4000] =	vst v0;
	s19 =	smov.u32 s18;
	s18 =	sadd.s32 $0x40, s18  }
.Ltmp2:
0x17: {  	(pc) =	sbr.rel @p0 .LBB2_2-.Ltmp2, $2  }
0x18: {  	_ =	sdelay $0x2  }
0x19: {  	s19 =	sshra.s32 s19, $0x2  }
0x1a: {  	[tilespmem:s19+$0x4000] =	vst v0;
	s18 =	simm.s32 $0x0  }
0x1b: {  	[tilespmem:s18], [sflag:$0x1] =	stream.linear.gather [hbm4b:s4+s18], $0x2000, $0x38;
	[tilespmem:$0x14000] =	vst v63  }
0x1c: {  	_ = 	snop  }
0x1d: {  	[tilespmem:s10], [sflag:$0x2] =	stream.linear.gather [hbm4b:s5+s18], $0x2000, $0x38;
	[tilespmem:$0x14000] =	vst v63  }
.LBB2_4:
0x1e: {  	_ =	swait.ge [sflag:s11], $0x2000  }
0x1f: {  	[sflag:s11] =	ssyncset.done $0x0  }
0x20: {  	s19 =	simm.s32 $0x0;
	[sflag:s11] =	ssyncadd.s32 $0xFFFFE000  }
.LBB2_5:
0x21: {  	s20 =	sshra.s32 s19, $0x2  }
0x22: {  	v3 =	vld [tilespmem:s20+$0x0];
	_ =	sdelay $0x4  }
0x23: {  	v3 =	vmul.f32 $4.000000000e+05, v3;
	_ =	sdelay $0x1  }
0x24: {  	v3 =	vadd.f32 $-2.780390000e+05, v3;
	_ =	sdelay $0x1  }
0x25: {  	v3 =	vtrunc.f32 v3  }
0x26: {  	v3 =	vcvt.f32.s32 v3;
	_ =	sdelay $0x1  }
0x27: {  	vm0 =	vgt.s32 v3, $0x0  }
0x28: {  	v3 =	vnsel vm0, $0x0, v3  }
0x29: {  	v3 =	vmin.u32 v3, $0xFFF  }
0x2a: {  	v3 =	vor.u32 v1, v3;
	_ =	sdelay $0x4  }
0x2b: {  	[tilespmem:v3+s12+$0x0] =	vst.idx.add.s32.msk $0xffff, v2  }
0x2c: {  	v3 =	vld [tilespmem:s20+$0x10];
	_ =	sdelay $0x4  }
0x2d: {  	v3 =	vmul.f32 $4.000000000e+05, v3;
	_ =	sdelay $0x1  }
0x2e: {  	v3 =	vadd.f32 $-2.780390000e+05, v3;
	_ =	sdelay $0x1  }
0x2f: {  	v3 =	vtrunc.f32 v3  }
0x30: {  	v3 =	vcvt.f32.s32 v3;
	_ =	sdelay $0x1  }
0x31: {  	vm13 =	vgt.s32 v3, $0x0  }
0x32: {  	v3 =	vnsel vm13, $0x0, v3  }
0x33: {  	v3 =	vmin.u32 v3, $0xFFF  }
0x34: {  	v3 =	vor.u32 v1, v3;
	_ =	sdelay $0x4  }
0x35: {  	[tilespmem:v3+s12+$0x0] =	vst.idx.add.s32.msk $0xffff, v2  }
0x36: {  	v3 =	vld [tilespmem:s20+$0x20];
	_ =	sdelay $0x4  }
0x37: {  	v3 =	vmul.f32 $4.000000000e+05, v3;
	_ =	sdelay $0x1  }
0x38: {  	v3 =	vadd.f32 $-2.780390000e+05, v3;
	_ =	sdelay $0x1  }
0x39: {  	v3 =	vtrunc.f32 v3  }
0x3a: {  	v3 =	vcvt.f32.s32 v3;
	_ =	sdelay $0x1  }
0x3b: {  	vm14 =	vgt.s32 v3, $0x0  }
0x3c: {  	v3 =	vnsel vm14, $0x0, v3  }
0x3d: {  	v3 =	vmin.u32 v3, $0xFFF  }
0x3e: {  	v3 =	vor.u32 v1, v3;
	_ =	sdelay $0x4  }
0x3f: {  	[tilespmem:v3+s12+$0x0] =	vst.idx.add.s32.msk $0xffff, v2  }
0x40: {  	v3 =	vld [tilespmem:s20+$0x30];
	_ =	sdelay $0x4  }
0x41: {  	v3 =	vmul.f32 $4.000000000e+05, v3;
	_ =	sdelay $0x1  }
0x42: {  	v3 =	vadd.f32 $-2.780390000e+05, v3;
	_ =	sdelay $0x1  }
0x43: {  	v3 =	vtrunc.f32 v3  }
0x44: {  	v3 =	vcvt.f32.s32 v3;
	_ =	sdelay $0x1  }
0x45: {  	vm15 =	vgt.s32 v3, $0x0  }
0x46: {  	v3 =	vnsel vm15, $0x0, v3  }
0x47: {  	v3 =	vmin.u32 v3, $0xFFF  }
0x48: {  	p0 =	sne.s32 s19, $0x7F00;
	v3 =	vor.u32 v1, v3  }
.Ltmp3:
0x49: {  	_ = 	snop;
	(pc) =	sbr.rel @p0 .LBB2_5-.Ltmp3, $2  }
0x4a: {  	_ =	sdelay $0x2  }
0x4b: {  	s19 =	sadd.s32 $0x100, s19;
	[tilespmem:v3+s12+$0x0] =	vst.idx.add.s32.msk $0xffff, v2  }
0x4c: {  	s19 =	sshll.u32 s18, $0xE;
	p0 =	seq.s32 s18, $0xF  }
0x4d: {  	s20 =	sadd.s32 @!p0 s19, s6  }
0x4e: {  	s20 =	sshrl.u32 @!p0 s20, $0x3  }
0x4f: {  	s21 =	simm.s32 @!p0 $0x0;
	s20 =	sadd.s32 @!p0 s3, s20  }
0x50: {  	[tilespmem:s21], [sflag:$0x1] =	stream.linear.gather @!p0 [hbm4b:s20+s21], $0x2000, $0x38;
	[tilespmem:$0x14000] =	vst v63  }
0x51: {  	_ =	swait.ge [sflag:s13], $0x2000  }
0x52: {  	[sflag:s13] =	ssyncset.done $0x0  }
0x53: {  	s20 =	simm.s32 $0x0;
	[sflag:s13] =	ssyncadd.s32 $0xFFFFE000  }
.LBB2_7:
0x54: {  	s21 =	sshra.s32 s20, $0x2  }
0x55: {  	v3 =	vld [tilespmem:s21+$0x2000];
	_ =	sdelay $0x4  }
0x56: {  	v3 =	vmul.f32 $4.000000000e+05, v3;
	_ =	sdelay $0x1  }
0x57: {  	v3 =	vadd.f32 $-2.780390000e+05, v3;
	_ =	sdelay $0x1  }
0x58: {  	v3 =	vtrunc.f32 v3  }
0x59: {  	v3 =	vcvt.f32.s32 v3;
	_ =	sdelay $0x1  }
0x5a: {  	vm0 =	vgt.s32 v3, $0x0  }
0x5b: {  	v3 =	vnsel vm0, $0x0, v3  }
0x5c: {  	v3 =	vmin.u32 v3, $0xFFF  }
0x5d: {  	v3 =	vor.u32 v1, v3;
	_ =	sdelay $0x4  }
0x5e: {  	[tilespmem:v3+s12+$0x0] =	vst.idx.add.s32.msk $0xffff, v2  }
0x5f: {  	v3 =	vld [tilespmem:s21+$0x2010];
	_ =	sdelay $0x4  }
0x60: {  	v3 =	vmul.f32 $4.000000000e+05, v3;
	_ =	sdelay $0x1  }
0x61: {  	v3 =	vadd.f32 $-2.780390000e+05, v3;
	_ =	sdelay $0x1  }
0x62: {  	v3 =	vtrunc.f32 v3  }
0x63: {  	v3 =	vcvt.f32.s32 v3;
	_ =	sdelay $0x1  }
0x64: {  	vm13 =	vgt.s32 v3, $0x0  }
0x65: {  	v3 =	vnsel vm13, $0x0, v3  }
0x66: {  	v3 =	vmin.u32 v3, $0xFFF  }
0x67: {  	v3 =	vor.u32 v1, v3;
	_ =	sdelay $0x4  }
0x68: {  	[tilespmem:v3+s12+$0x0] =	vst.idx.add.s32.msk $0xffff, v2  }
0x69: {  	v3 =	vld [tilespmem:s21+$0x2020];
	_ =	sdelay $0x4  }
0x6a: {  	v3 =	vmul.f32 $4.000000000e+05, v3;
	_ =	sdelay $0x1  }
0x6b: {  	v3 =	vadd.f32 $-2.780390000e+05, v3;
	_ =	sdelay $0x1  }
0x6c: {  	v3 =	vtrunc.f32 v3  }
0x6d: {  	v3 =	vcvt.f32.s32 v3;
	_ =	sdelay $0x1  }
0x6e: {  	vm14 =	vgt.s32 v3, $0x0  }
0x6f: {  	v3 =	vnsel vm14, $0x0, v3  }
0x70: {  	v3 =	vmin.u32 v3, $0xFFF  }
0x71: {  	v3 =	vor.u32 v1, v3;
	_ =	sdelay $0x4  }
0x72: {  	[tilespmem:v3+s12+$0x0] =	vst.idx.add.s32.msk $0xffff, v2  }
0x73: {  	v3 =	vld [tilespmem:s21+$0x2030];
	_ =	sdelay $0x4  }
0x74: {  	v3 =	vmul.f32 $4.000000000e+05, v3;
	_ =	sdelay $0x1  }
0x75: {  	v3 =	vadd.f32 $-2.780390000e+05, v3;
	_ =	sdelay $0x1  }
0x76: {  	v3 =	vtrunc.f32 v3  }
0x77: {  	v3 =	vcvt.f32.s32 v3;
	_ =	sdelay $0x1  }
0x78: {  	vm15 =	vgt.s32 v3, $0x0  }
0x79: {  	v3 =	vnsel vm15, $0x0, v3  }
0x7a: {  	v3 =	vmin.u32 v3, $0xFFF  }
0x7b: {  	p1 =	sne.s32 s20, $0x7F00;
	v3 =	vor.u32 v1, v3  }
.Ltmp4:
0x7c: {  	_ = 	snop;
	(pc) =	sbr.rel @p1 .LBB2_7-.Ltmp4, $2  }
0x7d: {  	_ =	sdelay $0x2  }
0x7e: {  	s20 =	sadd.s32 $0x100, s20;
	[tilespmem:v3+s12+$0x0] =	vst.idx.add.s32.msk $0xffff, v2  }
.Ltmp5:
0x7f: {  	(pc) =	sbr.rel @p0 .LBB2_10-.Ltmp5, $1  }
0x80: {  	_ =	sdelay $0x3  }
.Ltmp6:
0x81: {  	(pc) =	sbr.rel .LBB2_4-.Ltmp6, $4  }
0x82: {  	s19 =	sadd.s32 s19, s7  }
0x83: {  	s19 =	sshrl.u32 s19, $0x3  }
0x84: {  	s18 =	sadd.s32 $0x1, s18;
	s19 =	sadd.s32 s3, s19  }
0x85: {  	[tilespmem:s10], [sflag:$0x2] =	stream.linear.gather [hbm4b:s19+s2], $0x2000, $0x38;
	[tilespmem:$0x14000] =	vst v63  }
.LBB2_11:
0x86: {  	_ =	sfence.sel $0x180000  }
0x87: {  	[bflag:$0x0] =	sbarrier.arrive $0xFFFF  }
0x88: {  	p0 =	sne.s32 s1, $0x0;
	_ =	strace $0x9000004A  }
0x89: {  	s0 =	sadd.s32 @!p0 $0x100000, s0;
	[bflag:$0x2] =	sbarrier.arrive $0xFFFF  }
0x8a: {  	[sflag:s0] =	ssyncadd.tile.s32 @!p0 $0x1;
	_ =	shalt  }
.Lfunc_end2:
_tile_overlayer_lowered:
.L_overlay_start_2:
0x8b: {  	(tag) =	ssettag $0x2  }
0x8c: {  	s0 =	rddreg [dreg:$0x0];
	s2 =	stileid.u32  }
0x8d: {  	s1 =	rddreg [dreg:$0x1];
	p0 =	sne.s32 s2, $0x0  }
0x8e: {  	s3 =	rddreg [dreg:$0x2];
	[bflag:$0x3] =	sbarrier.arrive $0xFFFF;
	s2 =	simm.s32 @!p0 $0x1C03  }
0x8f: {  	[timem:s3], [sflag:s2] =	dma.local @!p0 [hbm:s0], s1  }
0x90: {  	s0 =	simm.s32 @!p0 $0x3  }
0x91: {  	_ =	swait.ge @!p0 [sflag:s0], s1  }
0x92: {  	s1 =	ssub.s32 @!p0 $0x0, s1;
	[sflag:s0] =	ssyncset.done @!p0 $0x0  }
0x93: {  	[sflag:s0] =	ssyncadd.s32 @!p0 s1  }
0x94: {  	[bflag:$0x3] =	sbarrier.arrive $0xFFFF  }
0x95: {  	_ =	shalt  }

// kernel: sparse-core-data-format-call.cloned.1.call-start
scs
called_computation_lowered:
.L_overlay_start_0:
0x0: {  	s2 =	sld [smem:$0x3FD9]  }
0x1: {  	s3 =	sld [smem:$0x3FFE];
	_ =	sdelay $0x1  }
0x2: {  	s1 =	srdreg.scid  }
0x3: {  	s0 =	sand.u32 $0x1, s1  }
0x4: {  	s18 =	sshll.u32 s0, $0xA;
	s2 =	sadd.s32 s3, s2  }
0x5: {  	s2 =	sadd.s32 s2, s18  }
0x6: {  	[smem:$0x3FC2] =	sst s2  }
0x7: {  	_ = 	snop  }
0x8: {  	s2 =	sld [smem:$0x3FC8];
	(tm) =	ssettm $0x1  }
0x9: {  	s19 =	sld [smem:$0x3FFB];
	_ =	sdelay $0x3  }
0xa: {  	_ =	strace s19  }
0xb: {  	s3 =	sld [smem:$0x3FFC];
	_ =	sdelay $0x3  }
0xc: {  	_ =	strace s3  }
0xd: {  	s3 =	sld [smem:$0x3FFD];
	_ =	sdelay $0x3  }
0xe: {  	_ =	strace s3  }
0xf: {  	_ =	strace $0x8FFFFFFF  }
0x10: {  	s20 =	sld [smem:$0x3FDB];
	_ =	sdelay $0x1  }
0x11: {  	s4 =	simm.s32 $_scs_section_size  }
0x12: {  	s5 =	simm.s32 $_size__tile_overlayer_lowered;
	s6 =	simm.s32 $_tile_overlayer_lowered  }
0x13: {  	s23 =	simm.s32 $0x1BFF;
	s22 =	sshll.u32 s6, $0x1;
	s3 =	sadd.s32 s4, s20  }
0x14: {  	s7 =	simm.s32 $0x0;
	s21 =	sshll.u32 s5, $0x1;
	s5 =	sadd.s32 s22, s3  }
0x15: {  	[timem:s7], [sflag:s23] =	dma.local [hbm:s5], s21  }
0x16: {  	_ =	swait.ge [sflag:s23], s21  }
0x17: {  	s4 =	ssub.s32 $0x0, s21;
	[sflag:s23] =	ssyncset.done $0x0  }
0x18: {  	[sflag:s23] =	ssyncadd.s32 s4;
	_ =	sdelay $0x1  }
0x19: {  	s24 =	simm.s32 $0x1B8B  }
0x1a: {  	_ =	swait.ge [sflag:s24], $0x1  }
0x1b: {  	[sflag:s24] =	ssyncset.done $0x0  }
0x1c: {  	s26 =	simm.s32 $0x1B8E;
	s25 =	sld [smem:$0x3FFE];
	[sflag:s24] =	ssyncadd.s32 $0xFFFFFFFF  }
0x1d: {  	s27 =	simm.s32 $execute0_lowered;
	[smem:$0x3FD2] =	sst s26  }
0x1e: {  	s5 =	sshll.u32 s27, $0x1;
	_ =	strace $0x80000046;
	[dreg:$0x1] =	wrdreg $0xFFFFFFFF  }
0x1f: {  	s28 =	simm.s32 $_size_execute0_lowered;
	s3 =	sadd.s32 s3, s5;
	[dreg:$0x0] =	wrdreg $0x0  }
0x20: {  	s5 =	sshll.u32 s28, $0x1;
	[dreg:$0x2] =	wrdreg s3  }
0x21: {  	[dreg:$0x3] =	wrdreg s5  }
0x22: {  	[dreg:$0x4] =	wrdreg $0xC0  }
0x23: {  	_ =	task [dreg:s7], $0x5FFFF  }
0x24: {  	[dreg:$0x1] =	wrdreg $0xFFFFFFFF  }
0x25: {  	[dreg:$0x0] =	wrdreg $0x60  }
0x26: {  	[dreg:$0x2] =	wrdreg s2  }
0x27: {  	[dreg:$0x3] =	wrdreg s25  }
0x28: {  	[dreg:$0x4] =	wrdreg $0x9  }
0x29: {  	_ =	task.clear_ibuf [dreg:s7], $0x5FFFF;
	_ =	strace $0x90000046  }
0x2a: {  	s29 =	simm.s32 $0x9;
	_ =	strace $0x80000048  }
0x2b: {  	_ =	swait.ge [sflag:s29], $0x1  }
0x2c: {  	[sflag:s29] =	ssyncadd.s32 $0xFFFFFFFF  }
0x2d: {  	_ =	strace $0x90000048  }
0x2e: {  	_ =	sfence  }
0x2f: {  	s30 =	sld [smem:$0x0];
	_ =	sdelay $0x2  }
0x30: {  	s31 =	sshll.u32 s1, $0xD;
	s1 =	sshrl.u32 s1, $0x2  }
0x31: {  	s3 =	sand.u32 $0x4000, s31;
	s1 =	sadd.s32 s1, s30  }
0x32: {  	s0 =	sor.u32 s3, s0;
	s1 =	sshll.u32 s1, $0x11  }
0x33: {  	s0 =	sor.u32 s1, s0  }
0x34: {  	s0 =	sadd.s32 $0x8F2B, s0  }
0x35: {  	[sflag:s0] =	ssyncadd.remote.s32 $0x1  }
0x36: {  	_ =	sfence.sel $0xFFFF  }
0x37: {  	[dreg:$0x0] =	wrdreg $0xFFFFFFFF;
	(pc) =	sbr.abs _section_cstart, $3  }
0x38: {  	[dreg:$0x1] =	wrdreg $0xFFFFFFFF  }
0x39: {  	_ =	task.clear_ibuf [dreg:s7], $0x2FFFF;
	_ =	strace $0x9FFFFFFF  }
0x3a: {  	(tm) =	ssettm $0x7FFFFFFF  }
0x3b: {  	_ =	shalt  }
tec
execute0_lowered:
.L_overlay_start_1:
0x0: {  	(tag) =	ssettag $0x1  }
0x1: {  	s0 =	srdreg.scid  }
0x2: {  	s1 =	sshll.u32 s0, $0x4  }
0x3: {  	s2 =	rddreg [dreg:$0x0];
	s0 =	stileid.u32;
	s1 =	sand.u32 $0x10, s1  }
0x4: {  	s4 =	rddreg [dreg:$0x1];
	s7 =	simm.s32 $0x1;
	s1 =	sor.u32 s0, s1  }
0x5: {  	s8 =	simm.s32 $0x2;
	s9 =	simm.s32 $0x0;
	s3 =	sshll.u32 s1, $0x1  }
0x6: {  	s12 =	simm.s32 $0x0;
	s11 =	simm.s32 $0x0;
	s6 =	ssub.s32 $0x400, s3  }
.Ltmp0:
0x7: {  	s4 =	sadd.s32 $0x1200, s4;
	s5 =	sand.u32 $0x3E, s6;
	(pc) =	sbr.rel .LBB1_1-.Ltmp0, $4  }
0x8: {  	s1 =	rddreg [dreg:$0x2];
	_ =	strace $0x80000047;
	p0 =	sne.s32 s5, $0x0  }
0x9: {  	s6 =	sshrl.u32 s6, $0x6;
	s5 =	simm.s32 $0x1;
	s7 =	simm.s32 @!p0 $0x0  }
0xa: {  	s10 =	smov.u32 s3;
	[sflag:s5] =	ssyncpa.u1 $0x0;
	s6 =	sadd.s32 s7, s6  }
0xb: {  	[sflag:s8] =	ssyncpa.u1 $0x0;
	s8 =	simm.s32 $0x0;
	s7 =	sadd.s32 $0x1, s6  }
.LBB1_9:
0xc: {  	s14 =	sadd.s32 $0x40, s10  }
0xd: {  	p1 =	sgt.s32 s14, $0x3FF  }
0xe: {  	s14 =	smov.u32 @p1 s3;
	p1 =	sne.s32 s11, s7  }
.Ltmp1:
0xf: {  	p0 =	slt.u32 s11, $0x2;
	(pc) =	sbr.rel @!p1 .LBB1_10-.Ltmp1, $4  }
0x10: {  	s13 =	simm.s32 @!p0 $0x2  }
0x11: {  	s15 =	sadd.s32 $0x1, s11;
	_ =	swait.ge @!p0 [sflag:s13], $0x4000  }
0x12: {  	s12 =	smov.u32 s10;
	s9 =	sadd.s32 $0x4000, s9;
	[sflag:s13] =	ssyncset.done @!p0 $0x0  }
0x13: {  	s11 =	smov.u32 s15;
	s10 =	smov.u32 s14;
	[sflag:s13] =	ssyncadd.s32 @!p0 $0xFFFFC000  }
.LBB1_1:
0x14: {  	p0 =	sge.u32 s11, s6  }
0x15: {  	s13 =	sxor.u32 @!p0 $0xFFFFFFFF, s11  }
0x16: {  	s31 =	sadd.s32 $0xFFFFFFFF, s11;
	s14 =	sshll.u32 @!p0 s10, $0xA;
	s13 =	sshll.u32 @!p0 s13, $0xE  }
0x17: {  	s15 =	simm.s32 @!p0 $0x0;
	s14 =	sadd.s32 @!p0 s2, s14;
	s13 =	sand.u32 @!p0 $0x4000, s13  }
0x18: {  	[tilespmem:s13], [sflag:$0x1] =	stream.linear.gather @!p0 [hbm4b:s14+s15], $0x4000, $0x38;
	[tilespmem:$0x10000] =	vst v63  }
0x19: {  	p0 =	sge.u32 s31, s6  }
.Ltmp2:
0x1a: {  	_ = 	snop;
	(pc) =	sbr.rel @p0 .LBB1_9-.Ltmp2, $1  }
0x1b: {  	_ =	sdelay $0x3  }
0x1c: {  	s13 =	sshll.u32 s9, $0x2  }
0x1d: {  	_ =	swait.ge [sflag:s5], $0x4000;
	s14 =	sshll.u32 s11, $0xE;
	s16 =	simm.s32 $0x0  }
0x1e: {  	p1 =	por $0x1, $0x1;
	s13 =	sand.u32 $0x10000, s13;
	[sflag:s5] =	ssyncset.done $0x0  }
0x1f: {  	s14 =	sand.u32 $0x4000, s14;
	s15 =	sshrl.u32 s13, $0x2;
	[sflag:s5] =	ssyncadd.s32 $0xFFFFC000  }
0x20: {  	s13 =	sor.u32 $0x8000, s14;
	s14 =	sadd.s32 $0x8040, s15;
	s15 =	sadd.s32 $0x40, s15  }
.LBB1_3:
0x21: {  	s16 =	sshll.u32 s16, $0x2  }
0x22: {  	p0 =	por p1, p1;
	s17 =	sshra.s32 s16, $0x2  }
0x23: {  	s18 =	simm.s32 $0x0;
	s16 =	sadd.s32 s17, s14;
	s17 =	sadd.s32 s17, s15  }
.LBB1_4:
0x24: {  	v0 =	vmov s17;
	_ =	sdelay $0x3  }
0x25: {  	s20 =	simm.s32 $0x0  }
0x26: {  	v6 =	vld.idx.msk [tilespmem:v0+s20+$0x30 ss:$0x1], $0xffff  }
0x27: {  	v7 =	vld.idx.msk [tilespmem:v0+s20+$0xFFFFFFC0 ss:$0x1], $0xffff  }
0x28: {  	v5 =	vld.idx.msk [tilespmem:v0+s20+$0xFFFFFFD0 ss:$0x1], $0xffff  }
0x29: {  	v4 =	vld.idx.msk [tilespmem:v0+s20+$0xFFFFFFE0 ss:$0x1], $0xffff  }
0x2a: {  	v3 =	vld.idx.msk [tilespmem:v0+s20+$0xFFFFFFF0 ss:$0x1], $0xffff  }
0x2b: {  	v1 =	vld.idx.msk [tilespmem:v0+s20+$0x0 ss:$0x1], $0xffff  }
0x2c: {  	v2 =	vld.idx.msk [tilespmem:v0+s20+$0x10 ss:$0x1], $0xffff;
	[tilespmem:s16+$0x30] =	vst v6  }
0x2d: {  	s19 =	simm.s32 $0x80;
	s21 =	simm.s32 $0x400;
	[tilespmem:s16+$0xFFFFFFC0] =	vst v7;
	v6 =	vld.idx.msk [tilespmem:v0+s20+$0x20 ss:$0x1], $0xffff;
	s20 =	smov.u32 s16  }
.LBB1_5:
0x2e: {  	p1 =	sne.s32 s21, $0xE00;
	v7 =	vld.idx.msk [tilespmem:v0+s19+$0x30 ss:$0x1], $0xffff;
	[tilespmem:s20+$0xFFFFFFD0] =	vst v5  }
0x2f: {  	v8 =	vld.idx.msk [tilespmem:v0+s19+$0xFFFFFFC0 ss:$0x1], $0xffff;
	[tilespmem:s20+$0xFFFFFFE0] =	vst v4  }
0x30: {  	v5 =	vld.idx.msk [tilespmem:v0+s19+$0xFFFFFFD0 ss:$0x1], $0xffff;
	[tilespmem:s20+$0xFFFFFFF0] =	vst v3  }
.Ltmp3:
0x31: {  	v4 =	vld.idx.msk [tilespmem:v0+s19+$0xFFFFFFE0 ss:$0x1], $0xffff;
	[tilespmem:s20+$0x0] =	vst v1;
	(pc) =	sbr.rel @p1 .LBB1_5-.Ltmp3, $4  }
0x32: {  	v3 =	vld.idx.msk [tilespmem:v0+s19+$0xFFFFFFF0 ss:$0x1], $0xffff;
	[tilespmem:s20+$0x10] =	vst v2  }
0x33: {  	v1 =	vld.idx.msk [tilespmem:v0+s19+$0x0 ss:$0x1], $0xffff;
	[tilespmem:s20+$0x20] =	vst v6;
	s20 =	sadd.s32 $0x400, s20  }
0x34: {  	v2 =	vld.idx.msk [tilespmem:v0+s19+$0x10 ss:$0x1], $0xffff;
	[tilespmem:s20+$0x30] =	vst v7  }
0x35: {  	[tilespmem:s20+$0xFFFFFFC0] =	vst v8;
	v6 =	vld.idx.msk [tilespmem:v0+s19+$0x20 ss:$0x1], $0xffff;
	s19 =	sshra.s32 s21, $0x2;
	s21 =	sadd.s32 $0x200, s21  }
0x36: {  	_ =	sdelay $0x2  }
0x37: {  	[tilespmem:s20+$0xFFFFFFD0] =	vst v5  }
0x38: {  	v56 =	vld.idx.msk [tilespmem:v0+s19+$0x30 ss:$0x1], $0xffff;
	[tilespmem:s20+$0xFFFFFFE0] =	vst v4  }
0x39: {  	v57 =	vld.idx.msk [tilespmem:v0+s19+$0xFFFFFFC0 ss:$0x1], $0xffff;
	[tilespmem:s20+$0xFFFFFFF0] =	vst v3  }
0x3a: {  	v58 =	vld.idx.msk [tilespmem:v0+s19+$0xFFFFFFD0 ss:$0x1], $0xffff;
	[tilespmem:s20+$0x0] =	vst v1  }
0x3b: {  	v59 =	vld.idx.msk [tilespmem:v0+s19+$0xFFFFFFE0 ss:$0x1], $0xffff;
	[tilespmem:s20+$0x10] =	vst v2  }
0x3c: {  	v60 =	vld.idx.msk [tilespmem:v0+s19+$0xFFFFFFF0 ss:$0x1], $0xffff;
	s31 =	sadd.s32 $0x400, s20;
	[tilespmem:s20+$0x20] =	vst v6  }
0x3d: {  	v61 =	vld.idx.msk [tilespmem:v0+s19+$0x0 ss:$0x1], $0xffff;
	[tilespmem:s31+$0x30] =	vst v56  }
0x3e: {  	v62 =	vld.idx.msk [tilespmem:v0+s19+$0x10 ss:$0x1], $0xffff;
	s18 =	sadd.s32 $0x1, s18;
	[tilespmem:s31+$0xFFFFFFC0] =	vst v57  }
0x3f: {  	v63 =	vld.idx.msk [tilespmem:v0+s19+$0x20 ss:$0x1], $0xffff;
	p1 =	sne.s32 s18, $0x8;
	[tilespmem:s31+$0xFFFFFFD0] =	vst v58  }
.Ltmp4:
0x40: {  	[tilespmem:s31+$0xFFFFFFE0] =	vst v59;
	(pc) =	sbr.rel @p1 .LBB1_4-.Ltmp4, $4  }
0x41: {  	[tilespmem:s31+$0xFFFFFFF0] =	vst v60  }
0x42: {  	[tilespmem:s31+$0x0] =	vst v61  }
0x43: {  	[tilespmem:s31+$0x10] =	vst v62  }
0x44: {  	s16 =	sadd.s32 $0x80, s16;
	s17 =	sadd.s32 $0x400, s17;
	[tilespmem:s31+$0x20] =	vst v63  }
.Ltmp5:
0x45: {  	(pc) =	sbr.rel @p0 .LBB1_3-.Ltmp5, $2  }
0x46: {  	_ =	sdelay $0x2  }
0x47: {  	s16 =	simm.s32 $0x2000;
	p1 =	por $0x0, $0x0  }
.Ltmp6:
0x48: {  	(pc) =	sbr.rel .LBB1_9-.Ltmp6, $4  }
0x49: {  	_ = 	snop  }
0x4a: {  	s12 =	sshll.u32 s12, $0xA  }
0x4b: {  	s12 =	sadd.s32 s4, s12  }
0x4c: {  	[hbm4b:s12+s8] =	stream.linear.scatter [tilespmem:s13], [sflag:$0x2], $0x4000, $0x38;
	[tilespmem:$0x10000] =	vst v63  }
.LBB1_10:
0x4d: {  	_ =	sfence.sel $0x180000  }
0x4e: {  	s2 =	simm.s32 $0x1;
	[bflag:$0x0] =	sbarrier.arrive $0xFFFF  }
0x4f: {  	s31 =	simm.s32 $0x2;
	[sflag:s2] =	ssyncpa.u1 $0x1  }
0x50: {  	[sflag:s31] =	ssyncpa.u1 $0x1  }
0x51: {  	p0 =	sne.s32 s0, $0x0;
	_ =	strace $0x90000047  }
0x52: {  	s0 =	sadd.s32 @!p0 $0x100000, s1;
	[bflag:$0x2] =	sbarrier.arrive $0xFFFF  }
0x53: {  	[sflag:s0] =	ssyncadd.tile.s32 @!p0 $0x1;
	_ =	shalt  }
.Lfunc_end1:
_tile_overlayer_lowered:
.L_overlay_start_2:
0x54: {  	(tag) =	ssettag $0x2  }
0x55: {  	s0 =	rddreg [dreg:$0x0];
	s2 =	stileid.u32  }
0x56: {  	s1 =	rddreg [dreg:$0x1];
	p0 =	sne.s32 s2, $0x0  }
0x57: {  	s3 =	rddreg [dreg:$0x2];
	[bflag:$0x3] =	sbarrier.arrive $0xFFFF;
	s2 =	simm.s32 @!p0 $0x1C01  }
0x58: {  	[timem:s3], [sflag:s2] =	dma.local @!p0 [hbm:s0], s1  }
0x59: {  	s0 =	simm.s32 @!p0 $0x1  }
0x5a: {  	_ =	swait.ge @!p0 [sflag:s0], s1  }
0x5b: {  	s1 =	ssub.s32 @!p0 $0x0, s1;
	[sflag:s0] =	ssyncset.done @!p0 $0x0  }
0x5c: {  	[sflag:s0] =	ssyncadd.s32 @!p0 s1  }
0x5d: {  	[bflag:$0x3] =	sbarrier.arrive $0xFFFF  }
0x5e: {  	_ =	shalt  }

</sc_bundles>
